<compile_context>
chip_gen: v7x
topology: tpu7x:2x2x1
jax: 0.10.2.dev20260603
libtpu: 0.0.44.dev20260713+nightly
codegen_flags: <defaults>
</compile_context>

<pallas_src>
import functools

import jax
import jax.numpy as jnp
from jax import lax
from jax.experimental import pallas as pl
from jax.experimental.pallas import tpu as pltpu
from jax.experimental.pallas import tpu_sc as plsc

_TN = 1024
_NW = 32


def _chamfer_body(ppa_ref, rpa_ref, out_ref, idx_ref,
                  acc_cmin, acc_carg, acc_chx, *, nt, m):
    t = pl.program_id(1)

    ppa = ppa_ref[0]
    rpa = rpa_ref[0]
    dn = (((1,), (0,)), ((), ()))
    pr = lax.dot_general(ppa, rpa, dn, preferred_element_type=jnp.float32)
    a2 = ppa[:, 3:4]
    b2 = rpa[4:5, :]
    d2 = jnp.maximum(a2 + b2 - 2.0 * pr, 0.0)

    chx_part = jnp.sum(jnp.min(d2, axis=1))

    cmin_t = jnp.min(d2, axis=0, keepdims=True)
    iota_n = lax.broadcasted_iota(jnp.int32, (_TN, m), 0)
    cand = jnp.where(d2 == cmin_t, iota_n, jnp.int32(2**30))
    carg_t = jnp.min(cand, axis=0, keepdims=True) + (t * _TN)

    @pl.when(t == 0)
    def _init():
        acc_cmin[...] = cmin_t
        acc_carg[...] = carg_t
        acc_chx[0] = chx_part

    @pl.when(t > 0)
    def _update():
        better = cmin_t < acc_cmin[...]
        acc_cmin[...] = jnp.where(better, cmin_t, acc_cmin[...])
        acc_carg[...] = jnp.where(better, carg_t, acc_carg[...])
        acc_chx[0] = acc_chx[0] + chx_part

    @pl.when(t == nt - 1)
    def _finish():
        bb = pl.program_id(0)
        out_ref[bb, 0] = acc_chx[0]
        out_ref[bb, 1] = jnp.sum(acc_cmin[...])
        idx_ref[0] = acc_carg[...]


def _tc_stage(aug_p, aug_rt, b, n, m):
    nt = n // _TN
    body = functools.partial(_chamfer_body, nt=nt, m=m)
    return pl.pallas_call(
        body,
        grid=(b, nt),
        in_specs=[
            pl.BlockSpec((1, _TN, 8), lambda bb, t: (bb, t, 0)),
            pl.BlockSpec((1, 8, m), lambda bb, t: (bb, 0, 0)),
        ],
        out_specs=[
            pl.BlockSpec(memory_space=pltpu.SMEM),
            pl.BlockSpec((1, 1, m), lambda bb, t: (bb, 0, 0)),
        ],
        out_shape=[
            jax.ShapeDtypeStruct((b, 4), jnp.float32),
            jax.ShapeDtypeStruct((b, 1, m), jnp.int32),
        ],
        scratch_shapes=[
            pltpu.VMEM((1, m), jnp.float32),
            pltpu.VMEM((1, m), jnp.int32),
            pltpu.SMEM((1,), jnp.float32),
        ],
    )(aug_p, aug_rt)


def _sc_gather_body(idx_hbm, rs_hbm, rc_hbm, ps_hbm, pc_hbm,
                    osdf_hbm, ocol_hbm,
                    idx_v, rs_v, rc_v, ps_v, pc_v, res_v, *, cw, wpb):
    wid = lax.axis_index("s") * 2 + lax.axis_index("c")
    bb = wid // wpb
    base = wid * cw

    pltpu.sync_copy(idx_hbm.at[pl.ds(base, cw)], idx_v)
    pltpu.sync_copy(rs_hbm.at[pl.ds(bb * 4096, 4096)], rs_v)
    pltpu.sync_copy(rc_hbm.at[pl.ds(bb * 12288, 12288)], rc_v)
    pltpu.sync_copy(ps_hbm.at[pl.ds(base, cw)], ps_v)
    pltpu.sync_copy(pc_hbm.at[pl.ds(base * 3, cw * 3)], pc_v)

    lanes = lax.iota(jnp.int32, 16)

    def step(j, accs):
        acc_s, acc_c = accs
        iv = idx_v[pl.ds(j * 16, 16)]
        g = plsc.load_gather(rs_v, [iv])
        acc_s = acc_s + jnp.abs(g - ps_v[pl.ds(j * 16, 16)])
        iv3 = iv * 3
        pv3 = lanes * 3 + (j * 48)
        for c in range(3):
            gc = plsc.load_gather(rc_v, [iv3 + c])
            pc_g = plsc.load_gather(pc_v, [pv3 + c])
            acc_c = acc_c + jnp.abs(gc - pc_g)
        return acc_s, acc_c

    zero = jnp.zeros((16,), jnp.float32)
    acc_s, acc_c = lax.fori_loop(0, cw // 16, step, (zero, zero))

    res_v[pl.ds(0, 16)] = acc_s
    res_v[pl.ds(16, 16)] = acc_c
    pltpu.sync_copy(res_v.at[pl.ds(0, 16)], osdf_hbm.at[pl.ds(wid * 16, 16)])
    pltpu.sync_copy(res_v.at[pl.ds(16, 16)], ocol_hbm.at[pl.ds(wid * 16, 16)])


def _sc_stage(idx_flat, rs_flat, rc_flat, ps_flat, pc_flat, nb):
    cw = nb * 4096 // _NW
    wpb = _NW // nb
    mesh = plsc.VectorSubcoreMesh(core_axis_name="c", subcore_axis_name="s")
    f = pl.kernel(
        functools.partial(_sc_gather_body, cw=cw, wpb=wpb),
        mesh=mesh,
        compiler_params=pltpu.CompilerParams(needs_layout_passes=False),
        out_type=[
            jax.ShapeDtypeStruct((_NW * 16,), jnp.float32),
            jax.ShapeDtypeStruct((_NW * 16,), jnp.float32),
        ],
        scratch_types=[
            pltpu.VMEM((cw,), jnp.int32),
            pltpu.VMEM((4096,), jnp.float32),
            pltpu.VMEM((12288,), jnp.float32),
            pltpu.VMEM((cw,), jnp.float32),
            pltpu.VMEM((cw * 3,), jnp.float32),
            pltpu.VMEM((32,), jnp.float32),
        ],
    )
    return f(idx_flat, rs_flat, rc_flat, ps_flat, pc_flat)


def kernel(predicted_points, predicted_sdfs, predicted_colors, ref_points,
           ref_sdfs, ref_colors):
    pp = predicted_points.reshape(-1, *predicted_points.shape[-2:])
    ps = predicted_sdfs.reshape(-1, *predicted_sdfs.shape[-2:])
    pc = predicted_colors.reshape(-1, *predicted_colors.shape[-2:])
    rp = ref_points.reshape(-1, *ref_points.shape[-2:])
    rs = ref_sdfs.reshape(-1, *ref_sdfs.shape[-2:])
    rc = ref_colors.reshape(-1, *ref_colors.shape[-2:])

    b, n, _ = pp.shape
    m = rp.shape[1]

    zeros1 = jnp.zeros((b, n, 1), jnp.float32)
    zeros3 = jnp.zeros((b, n, 3), jnp.float32)
    aug_p = jnp.concatenate(
        [pp, jnp.sum(pp * pp, axis=-1, keepdims=True), zeros1, zeros3],
        axis=-1)
    aug_r = jnp.concatenate(
        [rp, zeros1, jnp.sum(rp * rp, axis=-1, keepdims=True), zeros3],
        axis=-1)
    aug_rt = jnp.transpose(aug_r, (0, 2, 1))

    hb = b // 2
    sums_l = []
    sdf_l = []
    col_l = []
    for h in range(2):
        sl = slice(h * hb, (h + 1) * hb)
        s_h, idx_h = _tc_stage(aug_p[sl], aug_rt[sl], hb, n, m)
        sd_h, co_h = _sc_stage(idx_h.reshape(-1), rs[sl].reshape(-1),
                               rc[sl].reshape(-1), ps[sl].reshape(-1),
                               pc[sl].reshape(-1), hb)
        sums_l.append(s_h)
        sdf_l.append(sd_h)
        col_l.append(co_h)

    sums = jnp.concatenate(sums_l, axis=0)
    chx = jnp.sum(sums[:, 0]) / (b * n)
    chy = jnp.sum(sums[:, 1]) / (b * m)
    sdf_l1 = jnp.sum(jnp.stack(sdf_l)) / (b * m)
    color_l1 = jnp.sum(jnp.stack(col_l)) / (b * m * 3)
    return (sdf_l1, color_l1, chx + chy)

# --- scband reference (transcript-rebuilt; emitter-appended) ---
"""Pipeline reference for scband-chamfer-loss-12584254177838 (READ-ONLY COPY).

The authoritative reference and input builder live on the scoring server;
editing this copy changes nothing except your own understanding.
"""

import jax, jax.numpy as jnp
import numpy as np


def setup_inputs(seed: int = 0) -> dict:
    key = jax.random.key(seed)
    k1, k2, k3, k4, k5, k6 = jax.random.split(key, 6)
    B, N, M = 4, 4096, 4096
    return {
        'predicted_points': jax.random.normal(k1, (B, N, 3), dtype=jnp.float32),
        'predicted_sdfs': jax.random.normal(k2, (B, N, 1), dtype=jnp.float32),
        'predicted_colors': jax.random.uniform(k3, (B, N, 3), dtype=jnp.float32),
        'ref_points': jax.random.normal(k4, (B, M, 3), dtype=jnp.float32),
        'ref_sdfs': jax.random.normal(k5, (B, M, 1), dtype=jnp.float32),
        'ref_colors': jax.random.uniform(k6, (B, M, 3), dtype=jnp.float32),
    }


def _pairwise_sqdist(a, b):
    # a: [B, N, 3], b: [B, M, 3] -> [B, N, M] squared euclidean distances
    a2 = jnp.sum(a * a, axis=-1)[:, :, None]
    b2 = jnp.sum(b * b, axis=-1)[:, None, :]
    ab = jnp.einsum('bnd,bmd->bnm', a, b)
    return jnp.maximum(a2 + b2 - 2.0 * ab, 0.0)


def reference(predicted_points, predicted_sdfs, predicted_colors, ref_points, ref_sdfs, ref_colors):
    # flatten leading dims to [B, P, C] (matches .view(-1, *shape[-2:]))
    pp = predicted_points.reshape(-1, *predicted_points.shape[-2:])
    ps = predicted_sdfs.reshape(-1, *predicted_sdfs.shape[-2:])
    pc = predicted_colors.reshape(-1, *predicted_colors.shape[-2:])
    rp = ref_points.reshape(-1, *ref_points.shape[-2:])
    rs = ref_sdfs.reshape(-1, *ref_sdfs.shape[-2:])
    rc = ref_colors.reshape(-1, *ref_colors.shape[-2:])

    d2 = _pairwise_sqdist(pp, rp)  # [B, N, M]; argmin over sq-dist == argmin over cdist

    # torch.argmin(torch.cdist(pred, ref), dim=1) -> [B, M]: closest PRED index per ref point
    closest_ref_indices = jnp.argmin(d2, axis=1)  # [B, M], values in [0, N)

    # torch.gather(ref_sdfs, 1, idx[..., None]) -> jnp.take_along_axis on axis 1
    gathered_sdfs = jnp.take_along_axis(rs, closest_ref_indices[..., None], axis=1)  # [B, M, 1]
    sdf_l1_loss = jnp.mean(jnp.abs(gathered_sdfs - ps))

    idx3 = jnp.repeat(closest_ref_indices[..., None], 3, axis=-1)  # [B, M, 3]
    gathered_colors = jnp.take_along_axis(rc, idx3, axis=1)  # [B, M, 3]
    color_l1_loss = jnp.mean(jnp.abs(gathered_colors - pc))

    # pytorch3d chamfer_distance (squared L2, mean reduction over points and batch)
    cham_x = jnp.mean(jnp.min(d2, axis=2), axis=1)  # pred -> ref, [B]
    cham_y = jnp.mean(jnp.min(d2, axis=1), axis=1)  # ref -> pred, [B]
    chamfer = jnp.mean(cham_x + cham_y)

    return (sdf_l1_loss, color_l1_loss, chamfer)

if __name__ == "__main__":
    import jax
    _d = setup_inputs()
    print(jax.jit(kernel)(*tuple(_d.values())))

</pallas_src>

<mosaic_0001>
#map = affine_map<(d0, d1) -> (0)>
module attributes {stable_mosaic.version = 14 : i64} {
  func.func @_sc_gather_body(%arg0: i32, %arg1: i32, %arg2: memref<8192xi32, #tpu.memory_space<hbm>>, %arg3: memref<8192xf32, #tpu.memory_space<hbm>>, %arg4: memref<24576xf32, #tpu.memory_space<hbm>>, %arg5: memref<8192xf32, #tpu.memory_space<hbm>>, %arg6: memref<24576xf32, #tpu.memory_space<hbm>>, %arg7: memref<512xf32, #tpu.memory_space<hbm>>, %arg8: memref<512xf32, #tpu.memory_space<hbm>>, %arg9: memref<256xi32, #tpu.memory_space<vmem>>, %arg10: memref<4096xf32, #tpu.memory_space<vmem>>, %arg11: memref<12288xf32, #tpu.memory_space<vmem>>, %arg12: memref<256xf32, #tpu.memory_space<vmem>>, %arg13: memref<768xf32, #tpu.memory_space<vmem>>, %arg14: memref<32xf32, #tpu.memory_space<vmem>>) attributes {dimension_semantics = [#tpu.dimension_semantics<core_parallel>, #tpu.dimension_semantics<subcore_parallel>], iteration_bounds = array<i64: 2, 16>, scalar_prefetch = 0 : i64, scratch_operands = 6 : i64, tpu.core_type = #tpu.core_type<sc_vector_subcore>, window_params = [{transform_indices = #map}, {transform_indices = #map}, {transform_indices = #map}, {transform_indices = #map}, {transform_indices = #map}, {transform_indices = #map}, {transform_indices = #map}]} {
    %mul3A = arith.constant 2 : i32
    %mul3A_0 = arith.muli %arg1, %mul3A : i32
    %add3A = arith.addi %mul3A_0, %arg0 : i32
    %jit3A = arith.constant 16 : i32
    %div3A = arith.divsi %add3A, %jit3A : i32
    %sign3A = arith.constant 0 : i32
    %sign3A_1 = arith.cmpi sgt, %add3A, %sign3A : i32
    %sign3A_2 = arith.extui %sign3A_1 : i1 to i32
    %sign3A_3 = arith.constant 0 : i32
    %sign3A_4 = arith.cmpi slt, %add3A, %sign3A_3 : i32
    %sign3A_5 = arith.extui %sign3A_4 : i1 to i32
    %sign3A_6 = arith.subi %sign3A_2, %sign3A_5 : i32
    %sign3A_7 = arith.constant 0 : i32
    %sign3A_8 = arith.cmpi sgt, %jit3A, %sign3A_7 : i32
    %sign3A_9 = arith.extui %sign3A_8 : i1 to i32
    %sign3A_10 = arith.constant 0 : i32
    %sign3A_11 = arith.cmpi slt, %jit3A, %sign3A_10 : i32
    %sign3A_12 = arith.extui %sign3A_11 : i1 to i32
    %sign3A_13 = arith.subi %sign3A_9, %sign3A_12 : i32
    %ne3A = arith.cmpi ne, %sign3A_6, %sign3A_13 : i32
    %rem3A = arith.remsi %add3A, %jit3A : i32
    %ne3A_14 = arith.constant 0 : i32
    %ne3A_15 = arith.cmpi ne, %rem3A, %ne3A_14 : i32
    %and3A = arith.andi %ne3A, %ne3A_15 : i1
    %sub3A = arith.constant 1 : i32
    %sub3A_16 = arith.subi %div3A, %sub3A : i32
    %select_n3A = arith.select %and3A, %sub3A_16, %div3A : i32
    %mul3A_17 = arith.constant 256 : i32
    %mul3A_18 = arith.muli %add3A, %mul3A_17 : i32
    "tpu.region"() ({
      %run_scoped3A = tpu.sem_alloc : memref<!tpu.dma_semaphore, #tpu.memory_space<semaphore_mem>>
      %dma_start3A = tpu.memref_slice %arg2[%mul3A_18] : memref<8192xi32, #tpu.memory_space<hbm>> -> memref<256xi32, #tpu.memory_space<hbm>>
      %dma_start3A_38 = tpu.memref_slice %arg2[%mul3A_18] : memref<8192xi32, #tpu.memory_space<hbm>> -> memref<256xi32, #tpu.memory_space<hbm>>
      tpu.enqueue_dma source(%dma_start3A_38 : memref<256xi32, #tpu.memory_space<hbm>>) target(%arg9 : memref<256xi32, #tpu.memory_space<vmem>>) target_semaphore(%run_scoped3A : memref<!tpu.dma_semaphore, #tpu.memory_space<semaphore_mem>>)
      %dma_wait3A = tpu.memref_slice %arg2[%mul3A_18] : memref<8192xi32, #tpu.memory_space<hbm>> -> memref<256xi32, #tpu.memory_space<hbm>>
      %dma_wait3A_39 = tpu.memref_slice %arg2[%mul3A_18] : memref<8192xi32, #tpu.memory_space<hbm>> -> memref<256xi32, #tpu.memory_space<hbm>>
      tpu.wait_dma2 semaphore(%run_scoped3A : memref<!tpu.dma_semaphore, #tpu.memory_space<semaphore_mem>>) src(%dma_wait3A_39 : memref<256xi32, #tpu.memory_space<hbm>>) dst(%arg9 : memref<256xi32, #tpu.memory_space<vmem>>)
      tpu.yield
    }) : () -> ()
    %mul3A_19 = arith.constant 4096 : i32
    %mul3A_20 = arith.muli %select_n3A, %mul3A_19 : i32
    "tpu.region"() ({
      %run_scoped3A = tpu.sem_alloc : memref<!tpu.dma_semaphore, #tpu.memory_space<semaphore_mem>>
      %dma_start3A = tpu.memref_slice %arg3[%mul3A_20] : memref<8192xf32, #tpu.memory_space<hbm>> -> memref<4096xf32, #tpu.memory_space<hbm>>
      %dma_start3A_38 = tpu.memref_slice %arg3[%mul3A_20] : memref<8192xf32, #tpu.memory_space<hbm>> -> memref<4096xf32, #tpu.memory_space<hbm>>
      tpu.enqueue_dma source(%dma_start3A_38 : memref<4096xf32, #tpu.memory_space<hbm>>) target(%arg10 : memref<4096xf32, #tpu.memory_space<vmem>>) target_semaphore(%run_scoped3A : memref<!tpu.dma_semaphore, #tpu.memory_space<semaphore_mem>>)
      %dma_wait3A = tpu.memref_slice %arg3[%mul3A_20] : memref<8192xf32, #tpu.memory_space<hbm>> -> memref<4096xf32, #tpu.memory_space<hbm>>
      %dma_wait3A_39 = tpu.memref_slice %arg3[%mul3A_20] : memref<8192xf32, #tpu.memory_space<hbm>> -> memref<4096xf32, #tpu.memory_space<hbm>>
      tpu.wait_dma2 semaphore(%run_scoped3A : memref<!tpu.dma_semaphore, #tpu.memory_space<semaphore_mem>>) src(%dma_wait3A_39 : memref<4096xf32, #tpu.memory_space<hbm>>) dst(%arg10 : memref<4096xf32, #tpu.memory_space<vmem>>)
      tpu.yield
    }) : () -> ()
    %mul3A_21 = arith.constant 12288 : i32
    %mul3A_22 = arith.muli %select_n3A, %mul3A_21 : i32
    "tpu.region"() ({
      %run_scoped3A = tpu.sem_alloc : memref<!tpu.dma_semaphore, #tpu.memory_space<semaphore_mem>>
      %dma_start3A = tpu.memref_slice %arg4[%mul3A_22] : memref<24576xf32, #tpu.memory_space<hbm>> -> memref<12288xf32, #tpu.memory_space<hbm>>
      %dma_start3A_38 = tpu.memref_slice %arg4[%mul3A_22] : memref<24576xf32, #tpu.memory_space<hbm>> -> memref<12288xf32, #tpu.memory_space<hbm>>
      tpu.enqueue_dma source(%dma_start3A_38 : memref<12288xf32, #tpu.memory_space<hbm>>) target(%arg11 : memref<12288xf32, #tpu.memory_space<vmem>>) target_semaphore(%run_scoped3A : memref<!tpu.dma_semaphore, #tpu.memory_space<semaphore_mem>>)
      %dma_wait3A = tpu.memref_slice %arg4[%mul3A_22] : memref<24576xf32, #tpu.memory_space<hbm>> -> memref<12288xf32, #tpu.memory_space<hbm>>
      %dma_wait3A_39 = tpu.memref_slice %arg4[%mul3A_22] : memref<24576xf32, #tpu.memory_space<hbm>> -> memref<12288xf32, #tpu.memory_space<hbm>>
      tpu.wait_dma2 semaphore(%run_scoped3A : memref<!tpu.dma_semaphore, #tpu.memory_space<semaphore_mem>>) src(%dma_wait3A_39 : memref<12288xf32, #tpu.memory_space<hbm>>) dst(%arg11 : memref<12288xf32, #tpu.memory_space<vmem>>)
      tpu.yield
    }) : () -> ()
    "tpu.region"() ({
      %run_scoped3A = tpu.sem_alloc : memref<!tpu.dma_semaphore, #tpu.memory_space<semaphore_mem>>
      %dma_start3A = tpu.memref_slice %arg5[%mul3A_18] : memref<8192xf32, #tpu.memory_space<hbm>> -> memref<256xf32, #tpu.memory_space<hbm>>
      %dma_start3A_38 = tpu.memref_slice %arg5[%mul3A_18] : memref<8192xf32, #tpu.memory_space<hbm>> -> memref<256xf32, #tpu.memory_space<hbm>>
      tpu.enqueue_dma source(%dma_start3A_38 : memref<256xf32, #tpu.memory_space<hbm>>) target(%arg12 : memref<256xf32, #tpu.memory_space<vmem>>) target_semaphore(%run_scoped3A : memref<!tpu.dma_semaphore, #tpu.memory_space<semaphore_mem>>)
      %dma_wait3A = tpu.memref_slice %arg5[%mul3A_18] : memref<8192xf32, #tpu.memory_space<hbm>> -> memref<256xf32, #tpu.memory_space<hbm>>
      %dma_wait3A_39 = tpu.memref_slice %arg5[%mul3A_18] : memref<8192xf32, #tpu.memory_space<hbm>> -> memref<256xf32, #tpu.memory_space<hbm>>
      tpu.wait_dma2 semaphore(%run_scoped3A : memref<!tpu.dma_semaphore, #tpu.memory_space<semaphore_mem>>) src(%dma_wait3A_39 : memref<256xf32, #tpu.memory_space<hbm>>) dst(%arg12 : memref<256xf32, #tpu.memory_space<vmem>>)
      tpu.yield
    }) : () -> ()
    %mul3A_23 = arith.constant 3 : i32
    %mul3A_24 = arith.muli %mul3A_18, %mul3A_23 : i32
    "tpu.region"() ({
      %run_scoped3A = tpu.sem_alloc : memref<!tpu.dma_semaphore, #tpu.memory_space<semaphore_mem>>
      %dma_start3A = tpu.memref_slice %arg6[%mul3A_24] : memref<24576xf32, #tpu.memory_space<hbm>> -> memref<768xf32, #tpu.memory_space<hbm>>
      %dma_start3A_38 = tpu.memref_slice %arg6[%mul3A_24] : memref<24576xf32, #tpu.memory_space<hbm>> -> memref<768xf32, #tpu.memory_space<hbm>>
      tpu.enqueue_dma source(%dma_start3A_38 : memref<768xf32, #tpu.memory_space<hbm>>) target(%arg13 : memref<768xf32, #tpu.memory_space<vmem>>) target_semaphore(%run_scoped3A : memref<!tpu.dma_semaphore, #tpu.memory_space<semaphore_mem>>)
      %dma_wait3A = tpu.memref_slice %arg6[%mul3A_24] : memref<24576xf32, #tpu.memory_space<hbm>> -> memref<768xf32, #tpu.memory_space<hbm>>
      %dma_wait3A_39 = tpu.memref_slice %arg6[%mul3A_24] : memref<24576xf32, #tpu.memory_space<hbm>> -> memref<768xf32, #tpu.memory_space<hbm>>
      tpu.wait_dma2 semaphore(%run_scoped3A : memref<!tpu.dma_semaphore, #tpu.memory_space<semaphore_mem>>) src(%dma_wait3A_39 : memref<768xf32, #tpu.memory_space<hbm>>) dst(%arg13 : memref<768xf32, #tpu.memory_space<vmem>>)
      tpu.yield
    }) : () -> ()
    %iota3A = tpu.iota {dimensions = array<i32: 0>} : vector<16xi32>
    %broadcast_in_dim3A = arith.constant 0.000000e+00 : f32
    %broadcast_in_dim3A_25 = vector.broadcast %broadcast_in_dim3A : f32 to vector<16xf32>
    %scan3A = arith.constant 0 : i32
    %scan3A_26 = arith.constant 16 : i32
    %scan3A_27 = arith.addi %scan3A, %scan3A_26 : i32
    %scan3A_28 = arith.constant 1 : i32
    %scan3A_29:2 = scf.for %scan3A_38 = %scan3A to %scan3A_27 step %scan3A_28 iter_args(%scan3A_39 = %broadcast_in_dim3A_25, %scan3A_40 = %broadcast_in_dim3A_25) -> (vector<16xf32>, vector<16xf32>)  : i32 {
      %mul3A_41 = arith.constant 16 : i32
      %mul3A_42 = arith.muli %scan3A_38, %mul3A_41 : i32
      %get3A = arith.index_cast %mul3A_42 : i32 to index
      %get3A_43 = tpu.vector_load %arg9[%get3A] {strides = array<i32>} : memref<256xi32, #tpu.memory_space<vmem>>, vector<16xi32>,
      %gather3A = tpu.vector_load_idx %arg10[%get3A_43] : memref<4096xf32, #tpu.memory_space<vmem>>[vector<16xi32>], vector<16xf32>,
      %mul3A_44 = arith.constant 16 : i32
      %mul3A_45 = arith.muli %scan3A_38, %mul3A_44 : i32
      %get3A_46 = arith.index_cast %mul3A_45 : i32 to index
      %get3A_47 = tpu.vector_load %arg12[%get3A_46] {strides = array<i32>} : memref<256xf32, #tpu.memory_space<vmem>>, vector<16xf32>,
      %sub3A_48 = arith.subf %gather3A, %get3A_47 : vector<16xf32>
      %abs3A = math.absf %sub3A_48 : vector<16xf32>
      %add3A_49 = arith.addf %scan3A_39, %abs3A : vector<16xf32>
      %mul3A_50 = arith.constant 3 : i32
      %mul3A_51 = vector.broadcast %mul3A_50 : i32 to vector<16xi32>
      %mul3A_52 = arith.muli %get3A_43, %mul3A_51 : vector<16xi32>
      %mul3A_53 = arith.constant 3 : i32
      %mul3A_54 = vector.broadcast %mul3A_53 : i32 to vector<16xi32>
      %mul3A_55 = arith.muli %iota3A, %mul3A_54 : vector<16xi32>
      %mul3A_56 = arith.constant 48 : i32
      %mul3A_57 = arith.muli %scan3A_38, %mul3A_56 : i32
      %add3A_58 = vector.broadcast %mul3A_57 : i32 to vector<16xi32>
      %add3A_59 = arith.addi %mul3A_55, %add3A_58 : vector<16xi32>
      %add3A_60 = arith.constant 0 : i32
      %add3A_61 = vector.broadcast %add3A_60 : i32 to vector<16xi32>
      %add3A_62 = arith.addi %mul3A_52, %add3A_61 : vector<16xi32>
      %gather3A_63 = tpu.vector_load_idx %arg11[%add3A_62] : memref<12288xf32, #tpu.memory_space<vmem>>[vector<16xi32>], vector<16xf32>,
      %add3A_64 = arith.constant 0 : i32
      %add3A_65 = vector.broadcast %add3A_64 : i32 to vector<16xi32>
      %add3A_66 = arith.addi %add3A_59, %add3A_65 : vector<16xi32>
      %gather3A_67 = tpu.vector_load_idx %arg13[%add3A_66] : memref<768xf32, #tpu.memory_space<vmem>>[vector<16xi32>], vector<16xf32>,
      %sub3A_68 = arith.subf %gather3A_63, %gather3A_67 : vector<16xf32>
      %abs3A_69 = math.absf %sub3A_68 : vector<16xf32>
      %add3A_70 = arith.addf %scan3A_40, %abs3A_69 : vector<16xf32>
      %add3A_71 = arith.constant 1 : i32
      %add3A_72 = vector.broadcast %add3A_71 : i32 to vector<16xi32>
      %add3A_73 = arith.addi %mul3A_52, %add3A_72 : vector<16xi32>
      %gather3A_74 = tpu.vector_load_idx %arg11[%add3A_73] : memref<12288xf32, #tpu.memory_space<vmem>>[vector<16xi32>], vector<16xf32>,
      %add3A_75 = arith.constant 1 : i32
      %add3A_76 = vector.broadcast %add3A_75 : i32 to vector<16xi32>
      %add3A_77 = arith.addi %add3A_59, %add3A_76 : vector<16xi32>
      %gather3A_78 = tpu.vector_load_idx %arg13[%add3A_77] : memref<768xf32, #tpu.memory_space<vmem>>[vector<16xi32>], vector<16xf32>,
      %sub3A_79 = arith.subf %gather3A_74, %gather3A_78 : vector<16xf32>
      %abs3A_80 = math.absf %sub3A_79 : vector<16xf32>
      %add3A_81 = arith.addf %add3A_70, %abs3A_80 : vector<16xf32>
      %add3A_82 = arith.constant 2 : i32
      %add3A_83 = vector.broadcast %add3A_82 : i32 to vector<16xi32>
      %add3A_84 = arith.addi %mul3A_52, %add3A_83 : vector<16xi32>
      %gather3A_85 = tpu.vector_load_idx %arg11[%add3A_84] : memref<12288xf32, #tpu.memory_space<vmem>>[vector<16xi32>], vector<16xf32>,
      %add3A_86 = arith.constant 2 : i32
      %add3A_87 = vector.broadcast %add3A_86 : i32 to vector<16xi32>
      %add3A_88 = arith.addi %add3A_59, %add3A_87 : vector<16xi32>
      %gather3A_89 = tpu.vector_load_idx %arg13[%add3A_88] : memref<768xf32, #tpu.memory_space<vmem>>[vector<16xi32>], vector<16xf32>,
      %sub3A_90 = arith.subf %gather3A_85, %gather3A_89 : vector<16xf32>
      %abs3A_91 = math.absf %sub3A_90 : vector<16xf32>
      %add3A_92 = arith.addf %add3A_81, %abs3A_91 : vector<16xf32>
      scf.yield %add3A_49, %add3A_92 : vector<16xf32>, vector<16xf32>
    }
    %scan3A_30 = arith.constant 16 : i32
    %swap3A = arith.constant 0 : index
    %swap3A_31 = tpu.vector_load %arg14[%swap3A] {strides = array<i32>} : memref<32xf32, #tpu.memory_space<vmem>>, vector<16xf32>,
    tpu.vector_store %arg14[%swap3A], %scan3A_29#0 {strides = array<i32>} : memref<32xf32, #tpu.memory_space<vmem>>, vector<16xf32>,
    %swap3A_32 = arith.constant 16 : index
    %swap3A_33 = tpu.vector_load %arg14[%swap3A_32] {strides = array<i32>} : memref<32xf32, #tpu.memory_space<vmem>>, vector<16xf32>,
    tpu.vector_store %arg14[%swap3A_32], %scan3A_29#1 {strides = array<i32>} : memref<32xf32, #tpu.memory_space<vmem>>, vector<16xf32>,
    %mul3A_34 = arith.constant 16 : i32
    %mul3A_35 = arith.muli %add3A, %mul3A_34 : i32
    "tpu.region"() ({
      %run_scoped3A = tpu.sem_alloc : memref<!tpu.dma_semaphore, #tpu.memory_space<semaphore_mem>>
      %dma_start3A = arith.constant 0 : i32
      %dma_start3A_38 = tpu.memref_slice %arg14[%dma_start3A] : memref<32xf32, #tpu.memory_space<vmem>> -> memref<16xf32, #tpu.memory_space<vmem>>
      %dma_start3A_39 = tpu.memref_slice %arg7[%mul3A_35] : memref<512xf32, #tpu.memory_space<hbm>> -> memref<16xf32, #tpu.memory_space<hbm>>
      %dma_start3A_40 = tpu.memref_slice %arg7[%mul3A_35] : memref<512xf32, #tpu.memory_space<hbm>> -> memref<16xf32, #tpu.memory_space<hbm>>
      %dma_start3A_41 = arith.constant 0 : i32
      %dma_start3A_42 = tpu.memref_slice %arg14[%dma_start3A_41] : memref<32xf32, #tpu.memory_space<vmem>> -> memref<16xf32, #tpu.memory_space<vmem>>
      tpu.enqueue_dma source(%dma_start3A_42 : memref<16xf32, #tpu.memory_space<vmem>>) target(%dma_start3A_40 : memref<16xf32, #tpu.memory_space<hbm>>) target_semaphore(%run_scoped3A : memref<!tpu.dma_semaphore, #tpu.memory_space<semaphore_mem>>)
      %dma_wait3A = arith.constant 0 : i32
      %dma_wait3A_43 = tpu.memref_slice %arg14[%dma_wait3A] : memref<32xf32, #tpu.memory_space<vmem>> -> memref<16xf32, #tpu.memory_space<vmem>>
      %dma_wait3A_44 = tpu.memref_slice %arg7[%mul3A_35] : memref<512xf32, #tpu.memory_space<hbm>> -> memref<16xf32, #tpu.memory_space<hbm>>
      %dma_wait3A_45 = tpu.memref_slice %arg7[%mul3A_35] : memref<512xf32, #tpu.memory_space<hbm>> -> memref<16xf32, #tpu.memory_space<hbm>>
      %dma_wait3A_46 = arith.constant 0 : i32
      %dma_wait3A_47 = tpu.memref_slice %arg14[%dma_wait3A_46] : memref<32xf32, #tpu.memory_space<vmem>> -> memref<16xf32, #tpu.memory_space<vmem>>
      tpu.wait_dma2 semaphore(%run_scoped3A : memref<!tpu.dma_semaphore, #tpu.memory_space<semaphore_mem>>) src(%dma_wait3A_47 : memref<16xf32, #tpu.memory_space<vmem>>) dst(%dma_wait3A_45 : memref<16xf32, #tpu.memory_space<hbm>>)
      tpu.yield
    }) : () -> ()
    %mul3A_36 = arith.constant 16 : i32
    %mul3A_37 = arith.muli %add3A, %mul3A_36 : i32
    "tpu.region"() ({
      %run_scoped3A = tpu.sem_alloc : memref<!tpu.dma_semaphore, #tpu.memory_space<semaphore_mem>>
      %dma_start3A = arith.constant 16 : i32
      %dma_start3A_38 = tpu.memref_slice %arg14[%dma_start3A] : memref<32xf32, #tpu.memory_space<vmem>> -> memref<16xf32, #tpu.memory_space<vmem>>
      %dma_start3A_39 = tpu.memref_slice %arg8[%mul3A_37] : memref<512xf32, #tpu.memory_space<hbm>> -> memref<16xf32, #tpu.memory_space<hbm>>
      %dma_start3A_40 = tpu.memref_slice %arg8[%mul3A_37] : memref<512xf32, #tpu.memory_space<hbm>> -> memref<16xf32, #tpu.memory_space<hbm>>
      %dma_start3A_41 = arith.constant 16 : i32
      %dma_start3A_42 = tpu.memref_slice %arg14[%dma_start3A_41] : memref<32xf32, #tpu.memory_space<vmem>> -> memref<16xf32, #tpu.memory_space<vmem>>
      tpu.enqueue_dma source(%dma_start3A_42 : memref<16xf32, #tpu.memory_space<vmem>>) target(%dma_start3A_40 : memref<16xf32, #tpu.memory_space<hbm>>) target_semaphore(%run_scoped3A : memref<!tpu.dma_semaphore, #tpu.memory_space<semaphore_mem>>)
      %dma_wait3A = arith.constant 16 : i32
      %dma_wait3A_43 = tpu.memref_slice %arg14[%dma_wait3A] : memref<32xf32, #tpu.memory_space<vmem>> -> memref<16xf32, #tpu.memory_space<vmem>>
      %dma_wait3A_44 = tpu.memref_slice %arg8[%mul3A_37] : memref<512xf32, #tpu.memory_space<hbm>> -> memref<16xf32, #tpu.memory_space<hbm>>
      %dma_wait3A_45 = tpu.memref_slice %arg8[%mul3A_37] : memref<512xf32, #tpu.memory_space<hbm>> -> memref<16xf32, #tpu.memory_space<hbm>>
      %dma_wait3A_46 = arith.constant 16 : i32
      %dma_wait3A_47 = tpu.memref_slice %arg14[%dma_wait3A_46] : memref<32xf32, #tpu.memory_space<vmem>> -> memref<16xf32, #tpu.memory_space<vmem>>
      tpu.wait_dma2 semaphore(%run_scoped3A : memref<!tpu.dma_semaphore, #tpu.memory_space<semaphore_mem>>) src(%dma_wait3A_47 : memref<16xf32, #tpu.memory_space<vmem>>) dst(%dma_wait3A_45 : memref<16xf32, #tpu.memory_space<hbm>>)
      tpu.yield
    }) : () -> ()
    return
  }
}

#map = affine_map<(d0, d1) -> (0)>
module attributes {stable_mosaic.version = 14 : i64} {
  func.func @_sc_gather_body(%arg0: i32, %arg1: i32, %arg2: memref<8192xi32, #tpu.memory_space<hbm>>, %arg3: memref<8192xf32, #tpu.memory_space<hbm>>, %arg4: memref<24576xf32, #tpu.memory_space<hbm>>, %arg5: memref<8192xf32, #tpu.memory_space<hbm>>, %arg6: memref<24576xf32, #tpu.memory_space<hbm>>, %arg7: memref<512xf32, #tpu.memory_space<hbm>>, %arg8: memref<512xf32, #tpu.memory_space<hbm>>, %arg9: memref<256xi32, #tpu.memory_space<vmem>>, %arg10: memref<4096xf32, #tpu.memory_space<vmem>>, %arg11: memref<12288xf32, #tpu.memory_space<vmem>>, %arg12: memref<256xf32, #tpu.memory_space<vmem>>, %arg13: memref<768xf32, #tpu.memory_space<vmem>>, %arg14: memref<32xf32, #tpu.memory_space<vmem>>) attributes {dimension_semantics = [#tpu.dimension_semantics<core_parallel>, #tpu.dimension_semantics<subcore_parallel>], iteration_bounds = array<i64: 2, 16>, scalar_prefetch = 0 : i64, scratch_operands = 6 : i64, tpu.core_type = #tpu.core_type<sc_vector_subcore>, window_params = [{transform_indices = #map}, {transform_indices = #map}, {transform_indices = #map}, {transform_indices = #map}, {transform_indices = #map}, {transform_indices = #map}, {transform_indices = #map}]} {
    %mul3A = arith.constant 2 : i32
    %mul3A_0 = arith.muli %arg1, %mul3A : i32
    %add3A = arith.addi %mul3A_0, %arg0 : i32
    %jit3A = arith.constant 16 : i32
    %div3A = arith.divsi %add3A, %jit3A : i32
    %sign3A = arith.constant 0 : i32
    %sign3A_1 = arith.cmpi sgt, %add3A, %sign3A : i32
    %sign3A_2 = arith.extui %sign3A_1 : i1 to i32
    %sign3A_3 = arith.constant 0 : i32
    %sign3A_4 = arith.cmpi slt, %add3A, %sign3A_3 : i32
    %sign3A_5 = arith.extui %sign3A_4 : i1 to i32
    %sign3A_6 = arith.subi %sign3A_2, %sign3A_5 : i32
    %sign3A_7 = arith.constant 0 : i32
    %sign3A_8 = arith.cmpi sgt, %jit3A, %sign3A_7 : i32
    %sign3A_9 = arith.extui %sign3A_8 : i1 to i32
    %sign3A_10 = arith.constant 0 : i32
    %sign3A_11 = arith.cmpi slt, %jit3A, %sign3A_10 : i32
    %sign3A_12 = arith.extui %sign3A_11 : i1 to i32
    %sign3A_13 = arith.subi %sign3A_9, %sign3A_12 : i32
    %ne3A = arith.cmpi ne, %sign3A_6, %sign3A_13 : i32
    %rem3A = arith.remsi %add3A, %jit3A : i32
    %ne3A_14 = arith.constant 0 : i32
    %ne3A_15 = arith.cmpi ne, %rem3A, %ne3A_14 : i32
    %and3A = arith.andi %ne3A, %ne3A_15 : i1
    %sub3A = arith.constant 1 : i32
    %sub3A_16 = arith.subi %div3A, %sub3A : i32
    %select_n3A = arith.select %and3A, %sub3A_16, %div3A : i32
    %mul3A_17 = arith.constant 256 : i32
    %mul3A_18 = arith.muli %add3A, %mul3A_17 : i32
    "tpu.region"() ({
      %run_scoped3A = tpu.sem_alloc : memref<!tpu.dma_semaphore, #tpu.memory_space<semaphore_mem>>
      %dma_start3A = tpu.memref_slice %arg2[%mul3A_18] : memref<8192xi32, #tpu.memory_space<hbm>> -> memref<256xi32, #tpu.memory_space<hbm>>
      %dma_start3A_38 = tpu.memref_slice %arg2[%mul3A_18] : memref<8192xi32, #tpu.memory_space<hbm>> -> memref<256xi32, #tpu.memory_space<hbm>>
      tpu.enqueue_dma source(%dma_start3A_38 : memref<256xi32, #tpu.memory_space<hbm>>) target(%arg9 : memref<256xi32, #tpu.memory_space<vmem>>) target_semaphore(%run_scoped3A : memref<!tpu.dma_semaphore, #tpu.memory_space<semaphore_mem>>)
      %dma_wait3A = tpu.memref_slice %arg2[%mul3A_18] : memref<8192xi32, #tpu.memory_space<hbm>> -> memref<256xi32, #tpu.memory_space<hbm>>
      %dma_wait3A_39 = tpu.memref_slice %arg2[%mul3A_18] : memref<8192xi32, #tpu.memory_space<hbm>> -> memref<256xi32, #tpu.memory_space<hbm>>
      tpu.wait_dma2 semaphore(%run_scoped3A : memref<!tpu.dma_semaphore, #tpu.memory_space<semaphore_mem>>) src(%dma_wait3A_39 : memref<256xi32, #tpu.memory_space<hbm>>) dst(%arg9 : memref<256xi32, #tpu.memory_space<vmem>>)
      tpu.yield
    }) : () -> ()
    %mul3A_19 = arith.constant 4096 : i32
    %mul3A_20 = arith.muli %select_n3A, %mul3A_19 : i32
    "tpu.region"() ({
      %run_scoped3A = tpu.sem_alloc : memref<!tpu.dma_semaphore, #tpu.memory_space<semaphore_mem>>
      %dma_start3A = tpu.memref_slice %arg3[%mul3A_20] : memref<8192xf32, #tpu.memory_space<hbm>> -> memref<4096xf32, #tpu.memory_space<hbm>>
      %dma_start3A_38 = tpu.memref_slice %arg3[%mul3A_20] : memref<8192xf32, #tpu.memory_space<hbm>> -> memref<4096xf32, #tpu.memory_space<hbm>>
      tpu.enqueue_dma source(%dma_start3A_38 : memref<4096xf32, #tpu.memory_space<hbm>>) target(%arg10 : memref<4096xf32, #tpu.memory_space<vmem>>) target_semaphore(%run_scoped3A : memref<!tpu.dma_semaphore, #tpu.memory_space<semaphore_mem>>)
      %dma_wait3A = tpu.memref_slice %arg3[%mul3A_20] : memref<8192xf32, #tpu.memory_space<hbm>> -> memref<4096xf32, #tpu.memory_space<hbm>>
      %dma_wait3A_39 = tpu.memref_slice %arg3[%mul3A_20] : memref<8192xf32, #tpu.memory_space<hbm>> -> memref<4096xf32, #tpu.memory_space<hbm>>
      tpu.wait_dma2 semaphore(%run_scoped3A : memref<!tpu.dma_semaphore, #tpu.memory_space<semaphore_mem>>) src(%dma_wait3A_39 : memref<4096xf32, #tpu.memory_space<hbm>>) dst(%arg10 : memref<4096xf32, #tpu.memory_space<vmem>>)
      tpu.yield
    }) : () -> ()
    %mul3A_21 = arith.constant 12288 : i32
    %mul3A_22 = arith.muli %select_n3A, %mul3A_21 : i32
    "tpu.region"() ({
      %run_scoped3A = tpu.sem_alloc : memref<!tpu.dma_semaphore, #tpu.memory_space<semaphore_mem>>
      %dma_start3A = tpu.memref_slice %arg4[%mul3A_22] : memref<24576xf32, #tpu.memory_space<hbm>> -> memref<12288xf32, #tpu.memory_space<hbm>>
      %dma_start3A_38 = tpu.memref_slice %arg4[%mul3A_22] : memref<24576xf32, #tpu.memory_space<hbm>> -> memref<12288xf32, #tpu.memory_space<hbm>>
      tpu.enqueue_dma source(%dma_start3A_38 : memref<12288xf32, #tpu.memory_space<hbm>>) target(%arg11 : memref<12288xf32, #tpu.memory_space<vmem>>) target_semaphore(%run_scoped3A : memref<!tpu.dma_semaphore, #tpu.memory_space<semaphore_mem>>)
      %dma_wait3A = tpu.memref_slice %arg4[%mul3A_22] : memref<24576xf32, #tpu.memory_space<hbm>> -> memref<12288xf32, #tpu.memory_space<hbm>>
      %dma_wait3A_39 = tpu.memref_slice %arg4[%mul3A_22] : memref<24576xf32, #tpu.memory_space<hbm>> -> memref<12288xf32, #tpu.memory_space<hbm>>
      tpu.wait_dma2 semaphore(%run_scoped3A : memref<!tpu.dma_semaphore, #tpu.memory_space<semaphore_mem>>) src(%dma_wait3A_39 : memref<12288xf32, #tpu.memory_space<hbm>>) dst(%arg11 : memref<12288xf32, #tpu.memory_space<vmem>>)
      tpu.yield
    }) : () -> ()
    "tpu.region"() ({
      %run_scoped3A = tpu.sem_alloc : memref<!tpu.dma_semaphore, #tpu.memory_space<semaphore_mem>>
      %dma_start3A = tpu.memref_slice %arg5[%mul3A_18] : memref<8192xf32, #tpu.memory_space<hbm>> -> memref<256xf32, #tpu.memory_space<hbm>>
      %dma_start3A_38 = tpu.memref_slice %arg5[%mul3A_18] : memref<8192xf32, #tpu.memory_space<hbm>> -> memref<256xf32, #tpu.memory_space<hbm>>
      tpu.enqueue_dma source(%dma_start3A_38 : memref<256xf32, #tpu.memory_space<hbm>>) target(%arg12 : memref<256xf32, #tpu.memory_space<vmem>>) target_semaphore(%run_scoped3A : memref<!tpu.dma_semaphore, #tpu.memory_space<semaphore_mem>>)
      %dma_wait3A = tpu.memref_slice %arg5[%mul3A_18] : memref<8192xf32, #tpu.memory_space<hbm>> -> memref<256xf32, #tpu.memory_space<hbm>>
      %dma_wait3A_39 = tpu.memref_slice %arg5[%mul3A_18] : memref<8192xf32, #tpu.memory_space<hbm>> -> memref<256xf32, #tpu.memory_space<hbm>>
      tpu.wait_dma2 semaphore(%run_scoped3A : memref<!tpu.dma_semaphore, #tpu.memory_space<semaphore_mem>>) src(%dma_wait3A_39 : memref<256xf32, #tpu.memory_space<hbm>>) dst(%arg12 : memref<256xf32, #tpu.memory_space<vmem>>)
      tpu.yield
    }) : () -> ()
    %mul3A_23 = arith.constant 3 : i32
    %mul3A_24 = arith.muli %mul3A_18, %mul3A_23 : i32
    "tpu.region"() ({
      %run_scoped3A = tpu.sem_alloc : memref<!tpu.dma_semaphore, #tpu.memory_space<semaphore_mem>>
      %dma_start3A = tpu.memref_slice %arg6[%mul3A_24] : memref<24576xf32, #tpu.memory_space<hbm>> -> memref<768xf32, #tpu.memory_space<hbm>>
      %dma_start3A_38 = tpu.memref_slice %arg6[%mul3A_24] : memref<24576xf32, #tpu.memory_space<hbm>> -> memref<768xf32, #tpu.memory_space<hbm>>
      tpu.enqueue_dma source(%dma_start3A_38 : memref<768xf32, #tpu.memory_space<hbm>>) target(%arg13 : memref<768xf32, #tpu.memory_space<vmem>>) target_semaphore(%run_scoped3A : memref<!tpu.dma_semaphore, #tpu.memory_space<semaphore_mem>>)
      %dma_wait3A = tpu.memref_slice %arg6[%mul3A_24] : memref<24576xf32, #tpu.memory_space<hbm>> -> memref<768xf32, #tpu.memory_space<hbm>>
      %dma_wait3A_39 = tpu.memref_slice %arg6[%mul3A_24] : memref<24576xf32, #tpu.memory_space<hbm>> -> memref<768xf32, #tpu.memory_space<hbm>>
      tpu.wait_dma2 semaphore(%run_scoped3A : memref<!tpu.dma_semaphore, #tpu.memory_space<semaphore_mem>>) src(%dma_wait3A_39 : memref<768xf32, #tpu.memory_space<hbm>>) dst(%arg13 : memref<768xf32, #tpu.memory_space<vmem>>)
      tpu.yield
    }) : () -> ()
    %iota3A = tpu.iota {dimensions = array<i32: 0>} : vector<16xi32>
    %broadcast_in_dim3A = arith.constant 0.000000e+00 : f32
    %broadcast_in_dim3A_25 = vector.broadcast %broadcast_in_dim3A : f32 to vector<16xf32>
    %scan3A = arith.constant 0 : i32
    %scan3A_26 = arith.constant 16 : i32
    %scan3A_27 = arith.addi %scan3A, %scan3A_26 : i32
    %scan3A_28 = arith.constant 1 : i32
    %scan3A_29:2 = scf.for %scan3A_38 = %scan3A to %scan3A_27 step %scan3A_28 iter_args(%scan3A_39 = %broadcast_in_dim3A_25, %scan3A_40 = %broadcast_in_dim3A_25) -> (vector<16xf32>, vector<16xf32>)  : i32 {
      %mul3A_41 = arith.constant 16 : i32
      %mul3A_42 = arith.muli %scan3A_38, %mul3A_41 : i32
      %get3A = arith.index_cast %mul3A_42 : i32 to index
      %get3A_43 = tpu.vector_load %arg9[%get3A] {strides = array<i32>} : memref<256xi32, #tpu.memory_space<vmem>>, vector<16xi32>,
      %gather3A = tpu.vector_load_idx %arg10[%get3A_43] : memref<4096xf32, #tpu.memory_space<vmem>>[vector<16xi32>], vector<16xf32>,
      %mul3A_44 = arith.constant 16 : i32
      %mul3A_45 = arith.muli %scan3A_38, %mul3A_44 : i32
      %get3A_46 = arith.index_cast %mul3A_45 : i32 to index
      %get3A_47 = tpu.vector_load %arg12[%get3A_46] {strides = array<i32>} : memref<256xf32, #tpu.memory_space<vmem>>, vector<16xf32>,
      %sub3A_48 = arith.subf %gather3A, %get3A_47 : vector<16xf32>
      %abs3A = math.absf %sub3A_48 : vector<16xf32>
      %add3A_49 = arith.addf %scan3A_39, %abs3A : vector<16xf32>
      %mul3A_50 = arith.constant 3 : i32
      %mul3A_51 = vector.broadcast %mul3A_50 : i32 to vector<16xi32>
      %mul3A_52 = arith.muli %get3A_43, %mul3A_51 : vector<16xi32>
      %mul3A_53 = arith.constant 3 : i32
      %mul3A_54 = vector.broadcast %mul3A_53 : i32 to vector<16xi32>
      %mul3A_55 = arith.muli %iota3A, %mul3A_54 : vector<16xi32>
      %mul3A_56 = arith.constant 48 : i32
      %mul3A_57 = arith.muli %scan3A_38, %mul3A_56 : i32
      %add3A_58 = vector.broadcast %mul3A_57 : i32 to vector<16xi32>
      %add3A_59 = arith.addi %mul3A_55, %add3A_58 : vector<16xi32>
      %add3A_60 = arith.constant 0 : i32
      %add3A_61 = vector.broadcast %add3A_60 : i32 to vector<16xi32>
      %add3A_62 = arith.addi %mul3A_52, %add3A_61 : vector<16xi32>
      %gather3A_63 = tpu.vector_load_idx %arg11[%add3A_62] : memref<12288xf32, #tpu.memory_space<vmem>>[vector<16xi32>], vector<16xf32>,
      %add3A_64 = arith.constant 0 : i32
      %add3A_65 = vector.broadcast %add3A_64 : i32 to vector<16xi32>
      %add3A_66 = arith.addi %add3A_59, %add3A_65 : vector<16xi32>
      %gather3A_67 = tpu.vector_load_idx %arg13[%add3A_66] : memref<768xf32, #tpu.memory_space<vmem>>[vector<16xi32>], vector<16xf32>,
      %sub3A_68 = arith.subf %gather3A_63, %gather3A_67 : vector<16xf32>
      %abs3A_69 = math.absf %sub3A_68 : vector<16xf32>
      %add3A_70 = arith.addf %scan3A_40, %abs3A_69 : vector<16xf32>
      %add3A_71 = arith.constant 1 : i32
      %add3A_72 = vector.broadcast %add3A_71 : i32 to vector<16xi32>
      %add3A_73 = arith.addi %mul3A_52, %add3A_72 : vector<16xi32>
      %gather3A_74 = tpu.vector_load_idx %arg11[%add3A_73] : memref<12288xf32, #tpu.memory_space<vmem>>[vector<16xi32>], vector<16xf32>,
      %add3A_75 = arith.constant 1 : i32
      %add3A_76 = vector.broadcast %add3A_75 : i32 to vector<16xi32>
      %add3A_77 = arith.addi %add3A_59, %add3A_76 : vector<16xi32>
      %gather3A_78 = tpu.vector_load_idx %arg13[%add3A_77] : memref<768xf32, #tpu.memory_space<vmem>>[vector<16xi32>], vector<16xf32>,
      %sub3A_79 = arith.subf %gather3A_74, %gather3A_78 : vector<16xf32>
      %abs3A_80 = math.absf %sub3A_79 : vector<16xf32>
      %add3A_81 = arith.addf %add3A_70, %abs3A_80 : vector<16xf32>
      %add3A_82 = arith.constant 2 : i32
      %add3A_83 = vector.broadcast %add3A_82 : i32 to vector<16xi32>
      %add3A_84 = arith.addi %mul3A_52, %add3A_83 : vector<16xi32>
      %gather3A_85 = tpu.vector_load_idx %arg11[%add3A_84] : memref<12288xf32, #tpu.memory_space<vmem>>[vector<16xi32>], vector<16xf32>,
      %add3A_86 = arith.constant 2 : i32
      %add3A_87 = vector.broadcast %add3A_86 : i32 to vector<16xi32>
      %add3A_88 = arith.addi %add3A_59, %add3A_87 : vector<16xi32>
      %gather3A_89 = tpu.vector_load_idx %arg13[%add3A_88] : memref<768xf32, #tpu.memory_space<vmem>>[vector<16xi32>], vector<16xf32>,
      %sub3A_90 = arith.subf %gather3A_85, %gather3A_89 : vector<16xf32>
      %abs3A_91 = math.absf %sub3A_90 : vector<16xf32>
      %add3A_92 = arith.addf %add3A_81, %abs3A_91 : vector<16xf32>
      scf.yield %add3A_49, %add3A_92 : vector<16xf32>, vector<16xf32>
    }
    %scan3A_30 = arith.constant 16 : i32
    %swap3A = arith.constant 0 : index
    %swap3A_31 = tpu.vector_load %arg14[%swap3A] {strides = array<i32>} : memref<32xf32, #tpu.memory_space<vmem>>, vector<16xf32>,
    tpu.vector_store %arg14[%swap3A], %scan3A_29#0 {strides = array<i32>} : memref<32xf32, #tpu.memory_space<vmem>>, vector<16xf32>,
    %swap3A_32 = arith.constant 16 : index
    %swap3A_33 = tpu.vector_load %arg14[%swap3A_32] {strides = array<i32>} : memref<32xf32, #tpu.memory_space<vmem>>, vector<16xf32>,
    tpu.vector_store %arg14[%swap3A_32], %scan3A_29#1 {strides = array<i32>} : memref<32xf32, #tpu.memory_space<vmem>>, vector<16xf32>,
    %mul3A_34 = arith.constant 16 : i32
    %mul3A_35 = arith.muli %add3A, %mul3A_34 : i32
    "tpu.region"() ({
      %run_scoped3A = tpu.sem_alloc : memref<!tpu.dma_semaphore, #tpu.memory_space<semaphore_mem>>
      %dma_start3A = arith.constant 0 : i32
      %dma_start3A_38 = tpu.memref_slice %arg14[%dma_start3A] : memref<32xf32, #tpu.memory_space<vmem>> -> memref<16xf32, #tpu.memory_space<vmem>>
      %dma_start3A_39 = tpu.memref_slice %arg7[%mul3A_35] : memref<512xf32, #tpu.memory_space<hbm>> -> memref<16xf32, #tpu.memory_space<hbm>>
      %dma_start3A_40 = tpu.memref_slice %arg7[%mul3A_35] : memref<512xf32, #tpu.memory_space<hbm>> -> memref<16xf32, #tpu.memory_space<hbm>>
      %dma_start3A_41 = arith.constant 0 : i32
      %dma_start3A_42 = tpu.memref_slice %arg14[%dma_start3A_41] : memref<32xf32, #tpu.memory_space<vmem>> -> memref<16xf32, #tpu.memory_space<vmem>>
      tpu.enqueue_dma source(%dma_start3A_42 : memref<16xf32, #tpu.memory_space<vmem>>) target(%dma_start3A_40 : memref<16xf32, #tpu.memory_space<hbm>>) target_semaphore(%run_scoped3A : memref<!tpu.dma_semaphore, #tpu.memory_space<semaphore_mem>>)
      %dma_wait3A = arith.constant 0 : i32
      %dma_wait3A_43 = tpu.memref_slice %arg14[%dma_wait3A] : memref<32xf32, #tpu.memory_space<vmem>> -> memref<16xf32, #tpu.memory_space<vmem>>
      %dma_wait3A_44 = tpu.memref_slice %arg7[%mul3A_35] : memref<512xf32, #tpu.memory_space<hbm>> -> memref<16xf32, #tpu.memory_space<hbm>>
      %dma_wait3A_45 = tpu.memref_slice %arg7[%mul3A_35] : memref<512xf32, #tpu.memory_space<hbm>> -> memref<16xf32, #tpu.memory_space<hbm>>
      %dma_wait3A_46 = arith.constant 0 : i32
      %dma_wait3A_47 = tpu.memref_slice %arg14[%dma_wait3A_46] : memref<32xf32, #tpu.memory_space<vmem>> -> memref<16xf32, #tpu.memory_space<vmem>>
      tpu.wait_dma2 semaphore(%run_scoped3A : memref<!tpu.dma_semaphore, #tpu.memory_space<semaphore_mem>>) src(%dma_wait3A_47 : memref<16xf32, #tpu.memory_space<vmem>>) dst(%dma_wait3A_45 : memref<16xf32, #tpu.memory_space<hbm>>)
      tpu.yield
    }) : () -> ()
    %mul3A_36 = arith.constant 16 : i32
    %mul3A_37 = arith.muli %add3A, %mul3A_36 : i32
    "tpu.region"() ({
      %run_scoped3A = tpu.sem_alloc : memref<!tpu.dma_semaphore, #tpu.memory_space<semaphore_mem>>
      %dma_start3A = arith.constant 16 : i32
      %dma_start3A_38 = tpu.memref_slice %arg14[%dma_start3A] : memref<32xf32, #tpu.memory_space<vmem>> -> memref<16xf32, #tpu.memory_space<vmem>>
      %dma_start3A_39 = tpu.memref_slice %arg8[%mul3A_37] : memref<512xf32, #tpu.memory_space<hbm>> -> memref<16xf32, #tpu.memory_space<hbm>>
      %dma_start3A_40 = tpu.memref_slice %arg8[%mul3A_37] : memref<512xf32, #tpu.memory_space<hbm>> -> memref<16xf32, #tpu.memory_space<hbm>>
      %dma_start3A_41 = arith.constant 16 : i32
      %dma_start3A_42 = tpu.memref_slice %arg14[%dma_start3A_41] : memref<32xf32, #tpu.memory_space<vmem>> -> memref<16xf32, #tpu.memory_space<vmem>>
      tpu.enqueue_dma source(%dma_start3A_42 : memref<16xf32, #tpu.memory_space<vmem>>) target(%dma_start3A_40 : memref<16xf32, #tpu.memory_space<hbm>>) target_semaphore(%run_scoped3A : memref<!tpu.dma_semaphore, #tpu.memory_space<semaphore_mem>>)
      %dma_wait3A = arith.constant 16 : i32
      %dma_wait3A_43 = tpu.memref_slice %arg14[%dma_wait3A] : memref<32xf32, #tpu.memory_space<vmem>> -> memref<16xf32, #tpu.memory_space<vmem>>
      %dma_wait3A_44 = tpu.memref_slice %arg8[%mul3A_37] : memref<512xf32, #tpu.memory_space<hbm>> -> memref<16xf32, #tpu.memory_space<hbm>>
      %dma_wait3A_45 = tpu.memref_slice %arg8[%mul3A_37] : memref<512xf32, #tpu.memory_space<hbm>> -> memref<16xf32, #tpu.memory_space<hbm>>
      %dma_wait3A_46 = arith.constant 16 : i32
      %dma_wait3A_47 = tpu.memref_slice %arg14[%dma_wait3A_46] : memref<32xf32, #tpu.memory_space<vmem>> -> memref<16xf32, #tpu.memory_space<vmem>>
      tpu.wait_dma2 semaphore(%run_scoped3A : memref<!tpu.dma_semaphore, #tpu.memory_space<semaphore_mem>>) src(%dma_wait3A_47 : memref<16xf32, #tpu.memory_space<vmem>>) dst(%dma_wait3A_45 : memref<16xf32, #tpu.memory_space<hbm>>)
      tpu.yield
    }) : () -> ()
    return
  }
}

module attributes {stable_mosaic.version = 14 : i64} {
  func.func @_chamfer_body(%arg0: i32, %arg1: i32, %arg2: memref<1x1024x8xf32, #tpu.memory_space<vmem>>, %arg3: memref<1x8x4096xf32, #tpu.memory_space<vmem>>, %arg4: memref<2x4xf32, #tpu.memory_space<smem>>, %arg5: memref<1x1x4096xi32, #tpu.memory_space<vmem>>, %arg6: memref<1x4096xf32, #tpu.memory_space<vmem>>, %arg7: memref<1x4096xi32, #tpu.memory_space<vmem>>, %arg8: memref<1xf32, #tpu.memory_space<smem>>) attributes {dimension_semantics = [#tpu.dimension_semantics<arbitrary>, #tpu.dimension_semantics<arbitrary>], iteration_bounds = array<i64: 2, 4>, scalar_prefetch = 0 : i64, scratch_operands = 3 : i64, tpu.core_type = #tpu.core_type<tc>, window_params = [{transform_indices = @transform_0, window_bounds = array<i64: 1, 1024, 8>}, {transform_indices = @transform_1, window_bounds = array<i64: 1, 8, 4096>}, {transform_indices = @transform_2, window_bounds = array<i64: 2, 4>}, {transform_indices = @transform_3, window_bounds = array<i64: 1, 1, 4096>}]} {
    %get3A = arith.constant 0 : index
    %get3A_0 = arith.constant 0 : index
    %get3A_1 = arith.constant 0 : index
    %get3A_2 = vector.load %arg2[%get3A, %get3A_0, %get3A_1] : memref<1x1024x8xf32, #tpu.memory_space<vmem>>, vector<1x1024x8xf32>
    %get3A_3 = vector.shape_cast %get3A_2 : vector<1x1024x8xf32> to vector<1024x8xf32>
    %get3A_4 = arith.constant 0 : index
    %get3A_5 = arith.constant 0 : index
    %get3A_6 = arith.constant 0 : index
    %get3A_7 = vector.load %arg3[%get3A_4, %get3A_5, %get3A_6] : memref<1x8x4096xf32, #tpu.memory_space<vmem>>, vector<1x8x4096xf32>
    %get3A_8 = vector.shape_cast %get3A_7 : vector<1x8x4096xf32> to vector<8x4096xf32>
    %dot_general3A = arith.constant dense<0.000000e+00> : vector<1024x4096xf32>
    %dot_general3A_9 = tpu.matmul %get3A_3, %get3A_8, %dot_general3A {dimension_numbers = #tpu.dot_dimension_numbers<[1], [0], [0], [1], [0, 0, 1, 1], [], []>, transpose_lhs_hint = false} : vector<1024x8xf32>, vector<8x4096xf32>, vector<1024x4096xf32> -> vector<1024x4096xf32>
    %slice3A = vector.extract_strided_slice %get3A_3 {offsets = [0, 3], sizes = [1024, 1], strides = [1, 1]} : vector<1024x8xf32> to vector<1024x1xf32>
    %slice3A_10 = vector.extract_strided_slice %get3A_8 {offsets = [4, 0], sizes = [1, 4096], strides = [1, 1]} : vector<8x4096xf32> to vector<1x4096xf32>
    %add3A = vector.broadcast %slice3A : vector<1024x1xf32> to vector<1024x4096xf32>
    %add3A_11 = vector.broadcast %slice3A_10 : vector<1x4096xf32> to vector<1024x4096xf32>
    %add3A_12 = arith.addf %add3A, %add3A_11 : vector<1024x4096xf32>
    %mul3A = arith.constant 2.000000e+00 : f32
    %mul3A_13 = vector.broadcast %mul3A : f32 to vector<1024x4096xf32>
    %mul3A_14 = arith.mulf %mul3A_13, %dot_general3A_9 : vector<1024x4096xf32>
    %sub3A = arith.subf %add3A_12, %mul3A_14 : vector<1024x4096xf32>
    %max3A = arith.constant 0.000000e+00 : f32
    %max3A_15 = vector.broadcast %max3A : f32 to vector<1024x4096xf32>
    %max3A_16 = arith.maximumf %sub3A, %max3A_15 : vector<1024x4096xf32>
    %reduce_min3A = arith.constant dense<0x7F800000> : vector<1024xf32>
    %reduce_min3A_17 = vector.multi_reduction <minimumf>, %max3A_16, %reduce_min3A [1] : vector<1024x4096xf32> to vector<1024xf32>
    %reduce_sum3A = vector.shape_cast %reduce_min3A_17 : vector<1024xf32> to vector<1x1024xf32>
    %reduce_sum3A_18 = arith.constant dense<0.000000e+00> : vector<1xf32>
    %reduce_sum3A_19 = vector.multi_reduction <add>, %reduce_sum3A, %reduce_sum3A_18 [1] : vector<1x1024xf32> to vector<1xf32>
    %reduce_sum3A_20 = vector.shape_cast %reduce_sum3A_19 : vector<1xf32> to vector<1x1xf32>
    %reduce_sum3A_21 = vector.extract %reduce_sum3A_20[0, 0] : f32 from vector<1x1xf32>
    %reduce_min3A_22 = arith.constant dense<0x7F800000> : vector<4096xf32>
    %reduce_min3A_23 = vector.multi_reduction <minimumf>, %max3A_16, %reduce_min3A_22 [0] : vector<1024x4096xf32> to vector<4096xf32>
    %broadcast_in_dim3A = vector.shape_cast %reduce_min3A_23 : vector<4096xf32> to vector<1x4096xf32>
    %iota3A = tpu.iota {dimensions = array<i32: 0>} : vector<1024x4096xi32>
    %eq3A = vector.broadcast %broadcast_in_dim3A : vector<1x4096xf32> to vector<1024x4096xf32>
    %eq3A_24 = arith.cmpf oeq, %max3A_16, %eq3A : vector<1024x4096xf32>
    %jit3A = arith.constant 1073741824 : i32
    %broadcast_in_dim3A_25 = vector.broadcast %jit3A : i32 to vector<1024x4096xi32>
    %select_n3A = arith.select %eq3A_24, %iota3A, %broadcast_in_dim3A_25 : vector<1024x4096xi1>, vector<1024x4096xi32>
    %reduce_min3A_26 = arith.constant dense<2147483647> : vector<4096xi32>
    %reduce_min3A_27 = vector.multi_reduction <minsi>, %select_n3A, %reduce_min3A_26 [0] : vector<1024x4096xi32> to vector<4096xi32>
    %broadcast_in_dim3A_28 = vector.shape_cast %reduce_min3A_27 : vector<4096xi32> to vector<1x4096xi32>
    %mul3A_29 = arith.constant 1024 : i32
    %mul3A_30 = arith.muli %arg1, %mul3A_29 : i32
    %add3A_31 = vector.broadcast %mul3A_30 : i32 to vector<1x4096xi32>
    %add3A_32 = arith.addi %broadcast_in_dim3A_28, %add3A_31 : vector<1x4096xi32>
    %eq3A_33 = arith.constant 0 : i32
    %eq3A_34 = arith.cmpi eq, %arg1, %eq3A_33 : i32
    %convert_element_type3A = arith.extui %eq3A_34 : i1 to i32
    %cond3A = arith.constant 0 : i32
    %cond3A_35 = arith.cmpi ne, %convert_element_type3A, %cond3A : i32
    scf.if %cond3A_35 {
      %swap3A = arith.constant 0 : index
      %swap3A_45 = arith.constant 0 : index
      %swap3A_46 = vector.load %arg6[%swap3A, %swap3A_45] : memref<1x4096xf32, #tpu.memory_space<vmem>>, vector<1x4096xf32>
      tpu.vector_store %arg6[%swap3A, %swap3A_45], %broadcast_in_dim3A {strides = array<i32>} : memref<1x4096xf32, #tpu.memory_space<vmem>>, vector<1x4096xf32>,
      %swap3A_47 = arith.constant 0 : index
      %swap3A_48 = arith.constant 0 : index
      %swap3A_49 = vector.load %arg7[%swap3A_47, %swap3A_48] : memref<1x4096xi32, #tpu.memory_space<vmem>>, vector<1x4096xi32>
      tpu.vector_store %arg7[%swap3A_47, %swap3A_48], %add3A_32 {strides = array<i32>} : memref<1x4096xi32, #tpu.memory_space<vmem>>, vector<1x4096xi32>,
      %swap3A_50 = arith.constant 0 : index
      %swap3A_51 = memref.load %arg8[%swap3A_50] : memref<1xf32, #tpu.memory_space<smem>>
      memref.store %reduce_sum3A_21, %arg8[%swap3A_50] : memref<1xf32, #tpu.memory_space<smem>>
    } else {
    }
    %gt3A = arith.constant 0 : i32
    %gt3A_36 = arith.cmpi sgt, %arg1, %gt3A : i32
    %convert_element_type3A_37 = arith.extui %gt3A_36 : i1 to i32
    %cond3A_38 = arith.constant 0 : i32
    %cond3A_39 = arith.cmpi ne, %convert_element_type3A_37, %cond3A_38 : i32
    scf.if %cond3A_39 {
      %get3A_45 = arith.constant 0 : index
      %get3A_46 = arith.constant 0 : index
      %get3A_47 = vector.load %arg6[%get3A_45, %get3A_46] : memref<1x4096xf32, #tpu.memory_space<vmem>>, vector<1x4096xf32>
      %lt3A = arith.cmpf olt, %broadcast_in_dim3A, %get3A_47 : vector<1x4096xf32>
      %get3A_48 = arith.constant 0 : index
      %get3A_49 = arith.constant 0 : index
      %get3A_50 = vector.load %arg6[%get3A_48, %get3A_49] : memref<1x4096xf32, #tpu.memory_space<vmem>>, vector<1x4096xf32>
      %select_n3A_51 = arith.select %lt3A, %broadcast_in_dim3A, %get3A_50 : vector<1x4096xi1>, vector<1x4096xf32>
      %swap3A = arith.constant 0 : index
      %swap3A_52 = arith.constant 0 : index
      %swap3A_53 = vector.load %arg6[%swap3A, %swap3A_52] : memref<1x4096xf32, #tpu.memory_space<vmem>>, vector<1x4096xf32>
      tpu.vector_store %arg6[%swap3A, %swap3A_52], %select_n3A_51 {strides = array<i32>} : memref<1x4096xf32, #tpu.memory_space<vmem>>, vector<1x4096xf32>,
      %get3A_54 = arith.constant 0 : index
      %get3A_55 = arith.constant 0 : index
      %get3A_56 = vector.load %arg7[%get3A_54, %get3A_55] : memref<1x4096xi32, #tpu.memory_space<vmem>>, vector<1x4096xi32>
      %select_n3A_57 = arith.select %lt3A, %add3A_32, %get3A_56 : vector<1x4096xi1>, vector<1x4096xi32>
      %swap3A_58 = arith.constant 0 : index
      %swap3A_59 = arith.constant 0 : index
      %swap3A_60 = vector.load %arg7[%swap3A_58, %swap3A_59] : memref<1x4096xi32, #tpu.memory_space<vmem>>, vector<1x4096xi32>
      tpu.vector_store %arg7[%swap3A_58, %swap3A_59], %select_n3A_57 {strides = array<i32>} : memref<1x4096xi32, #tpu.memory_space<vmem>>, vector<1x4096xi32>,
      %get3A_61 = arith.constant 0 : index
      %get3A_62 = memref.load %arg8[%get3A_61] : memref<1xf32, #tpu.memory_space<smem>>
      %add3A_63 = arith.addf %get3A_62, %reduce_sum3A_21 : f32
      %swap3A_64 = arith.constant 0 : index
      %swap3A_65 = memref.load %arg8[%swap3A_64] : memref<1xf32, #tpu.memory_space<smem>>
      memref.store %add3A_63, %arg8[%swap3A_64] : memref<1xf32, #tpu.memory_space<smem>>
    } else {
    }
    %eq3A_40 = arith.constant 3 : i32
    %eq3A_41 = arith.cmpi eq, %arg1, %eq3A_40 : i32
    %convert_element_type3A_42 = arith.extui %eq3A_41 : i1 to i32
    %cond3A_43 = arith.constant 0 : i32
    %cond3A_44 = arith.cmpi ne, %convert_element_type3A_42, %cond3A_43 : i32
    scf.if %cond3A_44 {
      %get3A_45 = arith.constant 0 : index
      %get3A_46 = memref.load %arg8[%get3A_45] : memref<1xf32, #tpu.memory_space<smem>>
      %swap3A = arith.index_cast %arg0 : i32 to index
      %swap3A_47 = arith.constant 0 : index
      %swap3A_48 = memref.load %arg4[%swap3A, %swap3A_47] : memref<2x4xf32, #tpu.memory_space<smem>>
      memref.store %get3A_46, %arg4[%swap3A, %swap3A_47] : memref<2x4xf32, #tpu.memory_space<smem>>
      %get3A_49 = arith.constant 0 : index
      %get3A_50 = arith.constant 0 : index
      %get3A_51 = vector.load %arg6[%get3A_49, %get3A_50] : memref<1x4096xf32, #tpu.memory_space<vmem>>, vector<1x4096xf32>
      %reduce_sum3A_52 = vector.shape_cast %get3A_51 : vector<1x4096xf32> to vector<1x1x4096xf32>
      %reduce_sum3A_53 = arith.constant dense<0.000000e+00> : vector<1xf32>
      %reduce_sum3A_54 = vector.multi_reduction <add>, %reduce_sum3A_52, %reduce_sum3A_53 [1, 2] : vector<1x1x4096xf32> to vector<1xf32>
      %reduce_sum3A_55 = vector.shape_cast %reduce_sum3A_54 : vector<1xf32> to vector<1x1x1xf32>
      %reduce_sum3A_56 = vector.extract %reduce_sum3A_55[0, 0, 0] : f32 from vector<1x1x1xf32>
      %swap3A_57 = arith.index_cast %arg0 : i32 to index
      %swap3A_58 = arith.constant 1 : index
      %swap3A_59 = memref.load %arg4[%swap3A_57, %swap3A_58] : memref<2x4xf32, #tpu.memory_space<smem>>
      memref.store %reduce_sum3A_56, %arg4[%swap3A_57, %swap3A_58] : memref<2x4xf32, #tpu.memory_space<smem>>
      %get3A_60 = arith.constant 0 : index
      %get3A_61 = arith.constant 0 : index
      %get3A_62 = vector.load %arg7[%get3A_60, %get3A_61] : memref<1x4096xi32, #tpu.memory_space<vmem>>, vector<1x4096xi32>
      %swap3A_63 = arith.constant 0 : index
      %swap3A_64 = arith.constant 0 : index
      %swap3A_65 = arith.constant 0 : index
      %swap3A_66 = vector.load %arg5[%swap3A_63, %swap3A_64, %swap3A_65] : memref<1x1x4096xi32, #tpu.memory_space<vmem>>, vector<1x1x4096xi32>
      %swap3A_67 = vector.shape_cast %swap3A_66 : vector<1x1x4096xi32> to vector<1x4096xi32>
      %swap3A_68 = vector.shape_cast %get3A_62 : vector<1x4096xi32> to vector<1x1x4096xi32>
      tpu.vector_store %arg5[%swap3A_63, %swap3A_64, %swap3A_65], %swap3A_68 {strides = array<i32>} : memref<1x1x4096xi32, #tpu.memory_space<vmem>>, vector<1x1x4096xi32>,
    } else {
    }
    return
  }
  func.func @transform_0(%arg0: i32, %arg1: i32) -> (i32, i32, i32) {
    %c0_i32 = arith.constant 0 : i32
    %c0_i32_0 = arith.constant 0 : i32
    return %arg0, %arg1, %c0_i32 : i32, i32, i32
  }
  func.func @transform_1(%arg0: i32, %arg1: i32) -> (i32, i32, i32) {
    %c0_i32 = arith.constant 0 : i32
    %c0_i32_0 = arith.constant 0 : i32
    %c0_i32_1 = arith.constant 0 : i32
    return %arg0, %c0_i32, %c0_i32_0 : i32, i32, i32
  }
  func.func @transform_2(%arg0: i32, %arg1: i32) -> (i32, i32) {
    %c0_i32 = arith.constant 0 : i32
    %c0_i32_0 = arith.constant 0 : i32
    %c0_i32_1 = arith.constant 0 : i32
    return %c0_i32, %c0_i32_0 : i32, i32
  }
  func.func @transform_3(%arg0: i32, %arg1: i32) -> (i32, i32, i32) {
    %c0_i32 = arith.constant 0 : i32
    %c0_i32_0 = arith.constant 0 : i32
    %c0_i32_1 = arith.constant 0 : i32
    return %arg0, %c0_i32, %c0_i32_0 : i32, i32, i32
  }
}

</mosaic_0001>

<sc_bundles>
// kernel: kernel.6.cloned.1.call-start
scs
__scs_entry_jumppad:
0x0: {  	(pc) =	sbr.rel $0x88, $3  }
0x1: {  	(tag) =	ssettag $0x0;
	lr =	simm.s32 $0x1  }
0x2: {  	[smem:$0x3F9B] =	sst lr;
	_ =	strace $0xD0000000  }
0x3: {  	_ = 	snop  }
0x4: {  	_ = 	snop  }
0x5: {  	_ = 	snop  }
0x6: {  	_ = 	snop  }
0x7: {  	_ = 	snop  }
__scs_overlays_trampoline_lowered:
0x8: {  	[smem:$0x3FAA] =	sst s0  }
0x9: {  	[smem:$0x3FAB] =	sst s1  }
0xa: {  	[smem:$0x3FAC] =	sst s2  }
0xb: {  	[smem:$0x3FAD] =	sst s3  }
0xc: {  	[smem:$0x3FAE] =	sst s4  }
0xd: {  	[smem:$0x3FAF] =	sst s5  }
0xe: {  	[smem:$0x3FB0] =	sst s6  }
0xf: {  	[smem:$0x3FB1] =	sst s7  }
0x10: {  	[smem:$0x3FB2] =	sst s8  }
0x11: {  	[smem:$0x3FB3] =	sst s9;
	s0 =	simm.s32 @!p0 $0x0  }
0x12: {  	s1 =	sld [smem:$0x3F99];
	s0 =	simm.s32 @p0 $0x1  }
0x13: {  	[smem:$0x3FB4] =	sst s0;
	s0 =	simm.s32 @!p1 $0x0  }
0x14: {  	s2 =	sld [smem:$0x3F98];
	s0 =	simm.s32 @p1 $0x1  }
0x15: {  	[smem:$0x3FB5] =	sst s0;
	s0 =	simm.s32 @!p2 $0x0  }
0x16: {  	s3 =	sld [smem:$0x3FDB];
	s0 =	simm.s32 @p2 $0x1  }
0x17: {  	s4 =	simm.s32 $0x1BF5;
	[smem:$0x3FB7] =	sst s0  }
0x18: {  	s0 =	sld [smem:$0x3F9A];
	_ =	swait.ge [sflag:s4], $0x0  }
0x19: {  	s7 =	sld [smem:$0x3F9B]  }
0x1a: {  	s8 =	sadd.s32 $0xFFFFE003, lr  }
0x1b: {  	s9 =	sadd.s32 $0xFFFFFEF7, lr;
	s5 =	simm.s32 $0xFFFFFFFF;
	p2 =	slt.u32 s8, $0xFFFFF086  }
0x1c: {  	p1 =	slt.u32 s9, $0xF7A;
	s5 =	simm.s32 @!p2 $0x0  }
0x1d: {  	s5 =	simm.s32 @p1 $0x1;
	p0 =	seq.s32 s7, s2  }
0x1e: {  	s7 =	smul.u32 @!p0 $0xF7A, s2;
	p2 =	seq.s32 @!p0 s5, $0x0  }
0x1f: {  	s9 =	smul.u32 $0xF7A, s1;
	s8 =	simm.s32 @!p0 $0x1BF5;
	p2 =	por !p2, p0  }
0x20: {  	[sflag:s8] =	ssyncset.s32 @!p0 $0xFFFFF086;
	s6 =	sadd.s32 @!p0 s3, s7;
	s7 =	simm.s32 @!p0 $0x108  }
0x21: {  	s3 =	sadd.s32 s3, s9;
	s6 =	sadd.s32 @!p0 $0x88, s6;
	s7 =	simm.s32 @p2 $0x1082  }
0x22: {  	[simem:s7], [sflag:s8] =	dma.local @!p0 [hbm:s6], $0xF7A  }
0x23: {  	s9 =	sor.u32 $0xD0000000, s2;
	s6 =	simm.s32 $0x108;
	_ =	swait.ge @!p0 [sflag:s8], $0x0  }
0x24: {  	s3 =	sadd.s32 $0x88, s3;
	s6 =	simm.s32 @!p1 $0x1082;
	[sflag:s4] =	ssyncset.s32 $0xFFFFF086  }
0x25: {  	[simem:s6], [sflag:s4] =	dma.local [hbm:s3], $0xF7A  }
0x26: {  	[smem:$0x3F9B] =	sst s1;
	(tag) =	ssettag s2;
	_ =	strace s9  }
0x27: {  	s1 =	sld [smem:$0x3FAB]  }
0x28: {  	s2 =	sld [smem:$0x3FAC]  }
0x29: {  	s4 =	sld [smem:$0x3FAE]  }
0x2a: {  	p0 =	seq.s32 s5, $0x0;
	s5 =	sld [smem:$0x3FAF]  }
0x2b: {  	s6 =	sld [smem:$0x3FB0]  }
0x2c: {  	s7 =	sld [smem:$0x3FB1]  }
0x2d: {  	s3 =	simm.s32 $0x108;
	s8 =	sld [smem:$0x3FB2]  }
0x2e: {  	s3 =	simm.s32 @!p0 $0x1082;
	s9 =	sld [smem:$0x3FB3]  }
0x2f: {  	lr =	sadd.s32 s0, s3;
	s0 =	sld [smem:$0x3FAA]  }
0x30: {  	s3 =	sld [smem:$0x3FAD]  }
0x31: {  	[smem:$0x3FB6] =	sst s10  }
0x32: {  	s10 =	sld [smem:$0x3FB4];
	_ =	sdelay $0x3  }
0x33: {  	p0 =	seq.s32 s10, $0x1;
	s10 =	sld [smem:$0x3FB6];
	_ =	sdelay $0x3  }
0x34: {  	[smem:$0x3FB6] =	sst s10  }
0x35: {  	s10 =	sld [smem:$0x3FB5];
	_ =	sdelay $0x3  }
0x36: {  	p1 =	seq.s32 s10, $0x1;
	s10 =	sld [smem:$0x3FB6];
	_ =	sdelay $0x3  }
0x37: {  	[smem:$0x3FB6] =	sst s10  }
0x38: {  	s10 =	sld [smem:$0x3FB7]  }
0x39: {  	_ = 	snop;
	(pc) =	sbr.ind lr, $3  }
0x3a: {  	_ = 	snop  }
0x3b: {  	_ = 	snop  }
0x3c: {  	p2 =	seq.s32 s10, $0x1;
	s10 =	sld [smem:$0x3FB6]  }
0x3d: {  	_ =	shalt  }
0x3e: {  	_ =	shalt  }
0x3f: {  	_ =	shalt  }
0x40: {  	_ =	shalt  }
0x41: {  	_ =	shalt  }
0x42: {  	_ =	shalt  }
0x43: {  	_ =	shalt  }
0x44: {  	_ =	shalt  }
0x45: {  	_ =	shalt  }
0x46: {  	_ =	shalt  }
0x47: {  	_ =	shalt  }
0x48: {  	_ =	shalt  }
0x49: {  	_ =	shalt  }
0x4a: {  	_ =	shalt  }
0x4b: {  	_ =	shalt  }
0x4c: {  	_ =	shalt  }
0x4d: {  	_ =	shalt  }
0x4e: {  	_ =	shalt  }
0x4f: {  	_ =	shalt  }
0x50: {  	_ =	shalt  }
0x51: {  	_ =	shalt  }
0x52: {  	_ =	shalt  }
0x53: {  	_ =	shalt  }
0x54: {  	_ =	shalt  }
0x55: {  	_ =	shalt  }
0x56: {  	_ =	shalt  }
0x57: {  	_ =	shalt  }
0x58: {  	_ =	shalt  }
0x59: {  	_ =	shalt  }
0x5a: {  	_ =	shalt  }
0x5b: {  	_ =	shalt  }
0x5c: {  	_ =	shalt  }
0x5d: {  	_ =	shalt  }
0x5e: {  	_ =	shalt  }
0x5f: {  	_ =	shalt  }
0x60: {  	_ =	shalt  }
0x61: {  	_ =	shalt  }
0x62: {  	_ =	shalt  }
0x63: {  	_ =	shalt  }
0x64: {  	_ =	shalt  }
0x65: {  	_ =	shalt  }
0x66: {  	_ =	shalt  }
0x67: {  	_ =	shalt  }
0x68: {  	_ =	shalt  }
0x69: {  	_ =	shalt  }
0x6a: {  	_ =	shalt  }
0x6b: {  	_ =	shalt  }
0x6c: {  	_ =	shalt  }
0x6d: {  	_ =	shalt  }
0x6e: {  	_ =	shalt  }
0x6f: {  	_ =	shalt  }
0x70: {  	_ =	shalt  }
0x71: {  	_ =	shalt  }
0x72: {  	_ =	shalt  }
0x73: {  	_ =	shalt  }
0x74: {  	_ =	shalt  }
0x75: {  	_ =	shalt  }
0x76: {  	_ =	shalt  }
0x77: {  	_ =	shalt  }
0x78: {  	_ =	shalt  }
0x79: {  	_ =	shalt  }
0x7a: {  	_ =	shalt  }
0x7b: {  	_ =	shalt  }
0x7c: {  	_ =	shalt  }
0x7d: {  	_ =	shalt  }
0x7e: {  	_ =	shalt  }
0x7f: {  	_ =	shalt  }
0x80: {  	_ =	shalt  }
0x81: {  	_ =	shalt  }
0x82: {  	_ =	shalt  }
0x83: {  	_ =	shalt  }
0x84: {  	_ =	shalt  }
0x85: {  	_ =	shalt  }
0x86: {  	_ =	shalt  }
0x87: {  	_ =	shalt  }
.Lfunc_end0:
.L_simem_size_0:
called_computation_lowered:
.L_overlay_start_0:
0x88: {  	s2 =	sld [smem:$0x3FD9]  }
0x89: {  	s3 =	sld [smem:$0x3FFE];
	_ =	sdelay $0x1  }
0x8a: {  	s1 =	srdreg.scid  }
0x8b: {  	s0 =	sand.u32 $0x1, s1  }
0x8c: {  	s17 =	sshll.u32 s0, $0xA;
	s2 =	sadd.s32 s3, s2  }
0x8d: {  	s2 =	sadd.s32 s2, s17  }
0x8e: {  	[smem:$0x3FC2] =	sst s2  }
0x8f: {  	_ = 	snop  }
0x90: {  	(tm) =	ssettm $0x1  }
0x91: {  	s18 =	sld [smem:$0x3FFB];
	_ =	sdelay $0x3  }
0x92: {  	_ =	strace s18  }
0x93: {  	s2 =	sld [smem:$0x3FFC];
	_ =	sdelay $0x3  }
0x94: {  	_ =	strace s2  }
0x95: {  	s2 =	sld [smem:$0x3FFD];
	_ =	sdelay $0x3  }
0x96: {  	_ =	strace s2  }
0x97: {  	_ =	strace $0x8FFFFFFF  }
0x98: {  	s19 =	sld [smem:$0x3FDB];
	_ =	sdelay $0x1  }
0x99: {  	s20 =	simm.s32 $_scs_section_size  }
0x9a: {  	s4 =	simm.s32 $_size__tile_overlayer_lowered;
	s5 =	simm.s32 $_tile_overlayer_lowered  }
0x9b: {  	s6 =	simm.s32 $0x1BFF;
	s21 =	sshll.u32 s5, $0x1;
	s3 =	sadd.s32 s20, s19  }
0x9c: {  	s22 =	simm.s32 $0x0;
	s4 =	sshll.u32 s4, $0x1;
	s5 =	sadd.s32 s21, s3  }
0x9d: {  	[timem:s22], [sflag:s6] =	dma.local [hbm:s5], s4  }
0x9e: {  	_ =	swait.ge [sflag:s6], s4  }
0x9f: {  	s4 =	ssub.s32 $0x0, s4;
	[sflag:s6] =	ssyncset.done $0x0  }
0xa0: {  	[sflag:s6] =	ssyncadd.s32 s4;
	_ =	sdelay $0x1  }
0xa1: {  	s23 =	simm.s32 $0x1B8B  }
0xa2: {  	_ =	swait.ge [sflag:s23], $0x1  }
0xa3: {  	[sflag:s23] =	ssyncset.done $0x0  }
0xa4: {  	[sflag:s23] =	ssyncadd.s32 $0xFFFFFFFF  }
0xa5: {  	s4 =	sld [smem:$0x0]  }
0xa6: {  	s5 =	sand.u32 $0xFFFFFFFE, s1  }
0xa7: {  	p0 =	sne.s32 s1, s5  }
0xa8: {  	s5 =	sshll.u32 @p0 s5, $0xE  }
0xa9: {  	s5 =	sadd.s32 @p0 $0x11B8D, s5;
	s6 =	sshll.u32 @p0 s4, $0x11  }
0xaa: {  	s5 =	sor.u32 @p0 s6, s5  }
0xab: {  	[sflag:s5] =	ssyncadd.remote.s32 @p0 $0x1;
	_ =	sdelay $0x1  }
0xac: {  	s5 =	simm.s32 @p0 $0x1B8D  }
0xad: {  	_ =	swait.eq @p0 [sflag:s5], $0x1  }
0xae: {  	[sflag:s5] =	ssyncadd.s32 @p0 $0xFFFFFFFF  }
0xaf: {  	s6 =	sshll.u32 @!p0 s1, $0xE  }
0xb0: {  	s6 =	sor.u32 @!p0 $0x4000, s6;
	s5 =	simm.s32 @!p0 $0x1B8D  }
0xb1: {  	s4 =	sshll.u32 @!p0 s4, $0x11;
	s6 =	sadd.s32 @!p0 $0x11B8D, s6;
	_ =	swait.eq @!p0 [sflag:s5], $0x1  }
0xb2: {  	s4 =	sor.u32 @!p0 s4, s6;
	[sflag:s5] =	ssyncadd.s32 @!p0 $0xFFFFFFFF  }
0xb3: {  	s25 =	simm.s32 $0x1B8E;
	s24 =	sld [smem:$0x3FFE];
	[sflag:s4] =	ssyncadd.remote.s32 @!p0 $0x1  }
0xb4: {  	s26 =	simm.s32 $execute0_lowered;
	[smem:$0x3FD2] =	sst s25  }
0xb5: {  	s5 =	sshll.u32 s26, $0x1;
	_ =	strace $0x80000049;
	[dreg:$0x1] =	wrdreg $0xFFFFFFFF  }
0xb6: {  	s28 =	simm.s32 $_size_execute0_lowered;
	s3 =	sadd.s32 s3, s5;
	[dreg:$0x0] =	wrdreg $0x0  }
0xb7: {  	s5 =	sshll.u32 s28, $0x1;
	[dreg:$0x2] =	wrdreg s3  }
0xb8: {  	[dreg:$0x3] =	wrdreg s5  }
0xb9: {  	[dreg:$0x4] =	wrdreg $0xC0  }
0xba: {  	_ =	task [dreg:s22], $0x5FFFF  }
0xbb: {  	[dreg:$0x1] =	wrdreg $0xFFFFFFFF  }
0xbc: {  	[dreg:$0x0] =	wrdreg $0x60  }
0xbd: {  	[dreg:$0x2] =	wrdreg s24  }
0xbe: {  	[dreg:$0x3] =	wrdreg $0x9  }
0xbf: {  	_ =	task.clear_ibuf [dreg:s22], $0x4FFFF;
	_ =	strace $0x90000049  }
0xc0: {  	s29 =	simm.s32 $0x9;
	_ =	strace $0x8000004B  }
0xc1: {  	_ =	swait.ge [sflag:s29], $0x1  }
0xc2: {  	[sflag:s29] =	ssyncadd.s32 $0xFFFFFFFF  }
0xc3: {  	_ =	strace $0x9000004B  }
0xc4: {  	_ =	sfence  }
0xc5: {  	s30 =	sld [smem:$0x0];
	_ =	sdelay $0x2  }
0xc6: {  	s31 =	sshll.u32 s1, $0xD;
	s1 =	sshrl.u32 s1, $0x2  }
0xc7: {  	s4 =	sand.u32 $0x4000, s31;
	s1 =	sadd.s32 s1, s30  }
0xc8: {  	s0 =	sor.u32 s4, s0;
	s1 =	sshll.u32 s1, $0x11  }
0xc9: {  	s0 =	sor.u32 s1, s0  }
0xca: {  	s0 =	sadd.s32 $0x8F2B, s0  }
0xcb: {  	[sflag:s0] =	ssyncadd.remote.s32 $0x1  }
0xcc: {  	_ =	sfence.sel $0xFFFF  }
0xcd: {  	[dreg:$0x0] =	wrdreg $0xFFFFFFFF;
	(pc) =	sbr.abs _section_cstart, $3  }
0xce: {  	[dreg:$0x1] =	wrdreg $0xFFFFFFFF  }
0xcf: {  	_ =	task.clear_ibuf [dreg:s22], $0x2FFFF;
	_ =	strace $0x9FFFFFFF  }
0xd0: {  	(tm) =	ssettm $0x7FFFFFFF  }
0xd1: {  	_ =	shalt  }
tec
execute0_lowered:
.L_overlay_start_1:
0x0: {  	(tag) =	ssettag $0x1  }
0x1: {  	s3 =	rddreg [dreg:$0x0]  }
0x2: {  	s0 =	rddreg [dreg:$0x1];
	s2 =	simm.s32 $0x0;
	s1 =	stileid.u32  }
0x3: {  	s6 =	srdreg.scid;
	s12 =	simm.s32 $0x100;
	s13 =	simm.s32 $0x1100  }
0x4: {  	s14 =	simm.s32 $0x4200;
	s15 =	simm.s32 $0x4500;
	s16 =	simm.s32 $0x4510  }
0x5: {  	s17 =	simm.s32 $0x0;
	s22 =	simm.s32 $0x30;
	[smem:$0x7FF] =	sst s2  }
0x6: {  	s4 =	sshrl.u32 s1, $0x3;
	s6 =	sand.u32 $0x1, s6;
	s7 =	sshll.u32 s1, $0x1  }
0x7: {  	_ =	strace $0x8000004A;
	s5 =	smul.u32 $0x600, s4;
	s4 =	sshll.u32 s4, $0x9  }
0x8: {  	s7 =	sor.u32 s6, s7;
	s6 =	ssub.s32 $0x2, s6;
	s4 =	sadd.s32 s4, s3  }
0x9: {  	s8 =	sshll.u32 s7, $0x5;
	s9 =	smul.u32 $0x60, s7;
	s7 =	sshll.u32 s7, $0x1  }
0xa: {  	s10 =	sshrl.u32 s6, $0x1;
	s5 =	sadd.s32 s5, s3;
	s8 =	sadd.s32 s8, s3  }
0xb: {  	v0 =	vlaneseq.u32;
	s11 =	sadd.s32 s7, s3;
	s10 =	ssub.s32 s6, s10;
	s4 =	sadd.s32 $0x1E00, s4  }
0xc: {  	v0 =	vmul.u32 $0x3, v0;
	s9 =	sadd.s32 s9, s3;
	s3 =	sadd.s32 $0x4A00, s8;
	s5 =	sadd.s32 $0x3200, s5  }
0xd: {  	s6 =	sadd.s32 $0x2600, s8;
	s8 =	sadd.s32 $0x5000, s11;
	s10 =	smax.u32 s10, $0x1  }
0xe: {  	v1 =	vadd.s32 $0x1, v0;
	v2 =	vadd.s32 $0x2, v0;
	s7 =	sadd.s32 $0x3E00, s9;
	s9 =	sadd.s32 $0x4E00, s11;
	s11 =	simm.s32 $0x1  }
.LBB2_1:
0xf: {  	[tilespmem:s2], [sflag:$0x1] =	stream.linear.gather [hbm4b:s3+s2], $0x100, $0x38;
	[tilespmem:$0x4580] =	vst v63  }
0x10: {  	_ =	swait.ge [sflag:s11], $0x100  }
0x11: {  	[sflag:s11] =	ssyncset.done $0x0  }
0x12: {  	[sflag:s11] =	ssyncadd.s32 $0xFFFFFF00  }
0x13: {  	[tilespmem:s12], [sflag:$0x1] =	stream.linear.gather [hbm4b:s4+s2], $0x1000, $0x38;
	[tilespmem:$0x4580] =	vst v63  }
0x14: {  	_ =	swait.ge [sflag:s11], $0x1000  }
0x15: {  	[sflag:s11] =	ssyncset.done $0x0  }
0x16: {  	[sflag:s11] =	ssyncadd.s32 $0xFFFFF000  }
0x17: {  	[tilespmem:s13], [sflag:$0x1] =	stream.linear.gather [hbm4b:s5+s2], $0x3000, $0x38;
	[tilespmem:$0x4580] =	vst v63  }
0x18: {  	_ =	swait.ge [sflag:s11], $0x3000  }
0x19: {  	[sflag:s11] =	ssyncset.done $0x0  }
0x1a: {  	s18 =	simm.s32 $0x4100;
	[sflag:s11] =	ssyncadd.s32 $0xFFFFD000  }
0x1b: {  	[tilespmem:s18], [sflag:$0x1] =	stream.linear.gather [hbm4b:s6+s2], $0x100, $0x38;
	[tilespmem:$0x4580] =	vst v63  }
0x1c: {  	_ =	swait.ge [sflag:s11], $0x100  }
0x1d: {  	[sflag:s11] =	ssyncset.done $0x0  }
0x1e: {  	[sflag:s11] =	ssyncadd.s32 $0xFFFFFF00  }
0x1f: {  	[tilespmem:s14], [sflag:$0x1] =	stream.linear.gather [hbm4b:s7+s2], $0x300, $0x38;
	[tilespmem:$0x4580] =	vst v63  }
0x20: {  	_ =	swait.ge [sflag:s11], $0x300  }
0x21: {  	[sflag:s11] =	ssyncset.done $0x0  }
0x22: {  	[sflag:s11] =	ssyncadd.s32 $0xFFFFFD00  }
0x23: {  	v3 =	vld [tilespmem:s2+$0x0];
	_ =	sdelay $0x2  }
0x24: {  	v5 =	vadd.s32 s2, v0;
	_ =	sdelay $0x1  }
0x25: {  	v6 =	vadd.s32 s2, v1;
	v4 =	vmul.u32 $0x3, v3  }
0x26: {  	s31 =	simm.s32 $0x10;
	v9 =	vld [tilespmem:s18+$0x0]  }
0x27: {  	v11 =	vadd.s32 s2, v2;
	v10 =	vld [tilespmem:s31+$0x0]  }
0x28: {  	v16 =	vld.idx.msk [tilespmem:v5+s14+$0x0], $0xffff;
	v8 =	vadd.s32 $0x1, v4  }
0x29: {  	v3 =	vld.idx.msk [tilespmem:v3+s12+$0x0], $0xffff  }
0x2a: {  	v7 =	vld.idx.msk [tilespmem:v6+s14+$0x0], $0xffff;
	v5 =	vadd.s32 $0x2, v4  }
0x2b: {  	v17 =	vld.idx.msk [tilespmem:v4+s13+$0x0], $0xffff  }
0x2c: {  	v6 =	vld.idx.msk [tilespmem:v11+s14+$0x0], $0xffff  }
0x2d: {  	v13 =	vadd.s32 s22, v0;
	s18 =	simm.s32 $0x4110;
	v8 =	vld.idx.msk [tilespmem:v8+s13+$0x0], $0xffff  }
0x2e: {  	v11 =	vmul.u32 $0x3, v10;
	v4 =	vld [tilespmem:s18+$0x0];
	v3 =	vsub.f32 v3, v9  }
0x2f: {  	v12 =	vimm.f32 $0.0e+00;
	v14 =	vadd.s32 s22, v1;
	v9 =	vld.idx.msk [tilespmem:v5+s13+$0x0], $0xffff  }
0x30: {  	s20 =	simm.s32 $0x20;
	v15 =	vadd.s32 $0x1, v11;
	v5 =	vld.idx.msk [tilespmem:v10+s12+$0x0], $0xffff;
	v3 =	vand.u32 $0x7FFFFFFF, v3;
	v17 =	vsub.f32 v17, v16  }
0x31: {  	s19 =	simm.s32 $0x60;
	s21 =	simm.s32 $0x90;
	v10 =	vld [tilespmem:s20+$0x0];
	v16 =	vadd.s32 s22, v2;
	v3 =	vadd.f32 v3, v12  }
.LBB2_2:
0x32: {  	p0 =	sne.s32 s21, $0x2D0;
	v18 =	vld.idx.msk [tilespmem:v13+s14+$0x0], $0xffff;
	v19 =	vadd.s32 $0x2, v11;
	v13 =	vand.u32 $0x7FFFFFFF, v17;
	v8 =	vsub.f32 v8, v7  }
0x33: {  	v17 =	vld.idx.msk [tilespmem:v11+s13+$0x0], $0xffff;
	v11 =	vadd.f32 v13, v12  }
0x34: {  	v9 =	vsub.f32 v9, v6;
	v7 =	vld.idx.msk [tilespmem:v14+s14+$0x0], $0xffff;
	v12 =	vand.u32 $0x7FFFFFFF, v8  }
0x35: {  	v8 =	vld.idx.msk [tilespmem:v15+s13+$0x0], $0xffff;
	v12 =	vadd.f32 v12, v11  }
.Ltmp0:
0x36: {  	v13 =	vadd.s32 s19, v0;
	v14 =	vand.u32 $0x7FFFFFFF, v9;
	v11 =	vmul.u32 $0x3, v10;
	v6 =	vld.idx.msk [tilespmem:v16+s14+$0x0], $0xffff;
	(pc) =	sbr.rel @p0 .LBB2_2-.Ltmp0, $4  }
0x37: {  	s18 =	sadd.s32 $0x10, s18;
	v16 =	vsub.f32 v5, v4;
	v9 =	vld.idx.msk [tilespmem:v19+s13+$0x0], $0xffff;
	v12 =	vadd.f32 v14, v12  }
0x38: {  	v14 =	vadd.s32 s19, v1;
	v4 =	vld [tilespmem:s18+$0x0]  }
0x39: {  	s20 =	sadd.s32 $0x10, s20;
	v15 =	vadd.s32 $0x1, v11;
	v19 =	vand.u32 $0x7FFFFFFF, v16;
	v17 =	vsub.f32 v17, v18;
	v5 =	vld.idx.msk [tilespmem:v10+s12+$0x0], $0xffff  }
0x3a: {  	v16 =	vadd.s32 s19, v2;
	s19 =	smov.u32 s21;
	s21 =	sadd.s32 $0x30, s21;
	v3 =	vadd.f32 v19, v3;
	v10 =	vld [tilespmem:s20+$0x0]  }
0x3b: {  	_ =	sdelay $0x3  }
0x3c: {  	v13 =	vld.idx.msk [tilespmem:v13+s14+$0x0], $0xffff  }
0x3d: {  	v42 =	vld.idx.msk [tilespmem:v11+s13+$0x0], $0xffff  }
0x3e: {  	v18 =	vadd.s32 $0x2, v11;
	v14 =	vld.idx.msk [tilespmem:v14+s14+$0x0], $0xffff  }
0x3f: {  	v15 =	vld.idx.msk [tilespmem:v15+s13+$0x0], $0xffff;
	v20 =	vadd.s32 s19, v0;
	v19 =	vmul.u32 $0x3, v10  }
0x40: {  	v17 =	vand.u32 $0x7FFFFFFF, v17;
	v7 =	vsub.f32 v8, v7;
	v43 =	vld.idx.msk [tilespmem:v16+s14+$0x0], $0xffff;
	s18 =	sadd.s32 $0x10, s18  }
0x41: {  	v45 =	vadd.s32 s19, v1;
	v12 =	vadd.f32 v17, v12;
	v46 =	vld [tilespmem:s18+$0x0]  }
0x42: {  	v6 =	vsub.f32 v9, v6;
	v7 =	vand.u32 $0x7FFFFFFF, v7;
	v48 =	vld.idx.msk [tilespmem:v10+s12+$0x0], $0xffff;
	v47 =	vadd.s32 $0x1, v19  }
0x43: {  	v49 =	vadd.s32 s19, v2;
	v7 =	vadd.f32 v7, v12;
	v44 =	vld.idx.msk [tilespmem:v18+s13+$0x0], $0xffff  }
0x44: {  	v6 =	vand.u32 $0x7FFFFFFF, v6;
	v11 =	vsub.f32 v42, v13;
	v50 =	vld.idx.msk [tilespmem:v20+s14+$0x0], $0xffff;
	v51 =	vadd.s32 $0x2, v19  }
0x45: {  	v6 =	vadd.f32 v6, v7;
	v52 =	vld.idx.msk [tilespmem:v19+s13+$0x0], $0xffff  }
0x46: {  	v14 =	vsub.f32 v15, v14;
	v53 =	vld.idx.msk [tilespmem:v45+s14+$0x0], $0xffff;
	v11 =	vand.u32 $0x7FFFFFFF, v11  }
0x47: {  	v6 =	vadd.f32 v11, v6;
	v54 =	vld.idx.msk [tilespmem:v47+s13+$0x0], $0xffff  }
0x48: {  	v12 =	vld.idx.msk [tilespmem:v49+s14+$0x0], $0xffff;
	v14 =	vand.u32 $0x7FFFFFFF, v14;
	v8 =	vsub.f32 v44, v43  }
0x49: {  	v6 =	vadd.f32 v14, v6;
	v55 =	vld.idx.msk [tilespmem:v51+s13+$0x0], $0xffff  }
0x4a: {  	v8 =	vand.u32 $0x7FFFFFFF, v8;
	v7 =	vsub.f32 v52, v50  }
0x4b: {  	v4 =	vsub.f32 v5, v4;
	v56 =	vadd.f32 v8, v6  }
0x4c: {  	v58 =	vsub.f32 v54, v53;
	v57 =	vand.u32 $0x7FFFFFFF, v7  }
0x4d: {  	v4 =	vand.u32 $0x7FFFFFFF, v4;
	v59 =	vsub.f32 v48, v46;
	v5 =	vadd.f32 v57, v56  }
0x4e: {  	v3 =	vadd.f32 v4, v3;
	v61 =	vsub.f32 v55, v12;
	v60 =	vand.u32 $0x7FFFFFFF, v58  }
0x4f: {  	v62 =	vand.u32 $0x7FFFFFFF, v59;
	v4 =	vadd.f32 v60, v5  }
0x50: {  	v3 =	vadd.f32 v62, v3;
	v63 =	vand.u32 $0x7FFFFFFF, v61  }
0x51: {  	v4 =	vadd.f32 v63, v4  }
0x52: {  	[tilespmem:$0x4500] =	vst v3  }
0x53: {  	[tilespmem:$0x4510] =	vst v4  }
0x54: {  	[hbm4b:s8+s2] =	stream.linear.scatter [tilespmem:s15], [sflag:$0x1], $0x10, $0x38;
	[tilespmem:$0x4580] =	vst v63  }
0x55: {  	s17 =	sadd.s32 $0x1, s17;
	_ =	swait.ge [sflag:s11], $0x10  }
0x56: {  	p0 =	sne.s32 s17, s10;
	[sflag:s11] =	ssyncset.done $0x0  }
.Ltmp1:
0x57: {  	[sflag:s11] =	ssyncadd.s32 $0xFFFFFFF0;
	(pc) =	sbr.rel @p0 .LBB2_1-.Ltmp1, $4  }
0x58: {  	[hbm4b:s9+s2] =	stream.linear.scatter [tilespmem:s16], [sflag:$0x1], $0x10, $0x38;
	[tilespmem:$0x4580] =	vst v63  }
0x59: {  	_ =	swait.ge [sflag:s11], $0x10  }
0x5a: {  	[sflag:s11] =	ssyncset.done $0x0  }
0x5b: {  	[sflag:s11] =	ssyncadd.s32 $0xFFFFFFF0  }
0x5c: {  	_ =	sfence.sel $0x180000  }
0x5d: {  	[bflag:$0x0] =	sbarrier.arrive $0xFFFF  }
0x5e: {  	p0 =	sne.s32 s1, $0x0;
	_ =	strace $0x9000004A  }
0x5f: {  	s0 =	sadd.s32 @!p0 $0x100000, s0;
	[bflag:$0x2] =	sbarrier.arrive $0xFFFF  }
0x60: {  	[sflag:s0] =	ssyncadd.tile.s32 @!p0 $0x1;
	_ =	shalt  }
.Lfunc_end2:
_tile_overlayer_lowered:
.L_overlay_start_2:
0x61: {  	(tag) =	ssettag $0x2  }
0x62: {  	s0 =	rddreg [dreg:$0x0];
	s2 =	stileid.u32  }
0x63: {  	s1 =	rddreg [dreg:$0x1];
	p0 =	sne.s32 s2, $0x0  }
0x64: {  	s3 =	rddreg [dreg:$0x2];
	[bflag:$0x3] =	sbarrier.arrive $0xFFFF;
	s2 =	simm.s32 @!p0 $0x1C01  }
0x65: {  	[timem:s3], [sflag:s2] =	dma.local @!p0 [hbm:s0], s1  }
0x66: {  	s0 =	simm.s32 @!p0 $0x1  }
0x67: {  	_ =	swait.ge @!p0 [sflag:s0], s1  }
0x68: {  	s1 =	ssub.s32 @!p0 $0x0, s1;
	[sflag:s0] =	ssyncset.done @!p0 $0x0  }
0x69: {  	[sflag:s0] =	ssyncadd.s32 @!p0 s1  }
0x6a: {  	[bflag:$0x3] =	sbarrier.arrive $0xFFFF  }
0x6b: {  	_ =	shalt  }

// kernel: kernel.9.cloned.1.call-start
scs
__scs_entry_jumppad:
0x0: {  	(pc) =	sbr.rel $0x88, $3  }
0x1: {  	(tag) =	ssettag $0x0;
	lr =	simm.s32 $0x1  }
0x2: {  	[smem:$0x3F9B] =	sst lr;
	_ =	strace $0xD0000000  }
0x3: {  	_ = 	snop  }
0x4: {  	_ = 	snop  }
0x5: {  	_ = 	snop  }
0x6: {  	_ = 	snop  }
0x7: {  	_ = 	snop  }
__scs_overlays_trampoline_lowered:
0x8: {  	[smem:$0x3FAA] =	sst s0  }
0x9: {  	[smem:$0x3FAB] =	sst s1  }
0xa: {  	[smem:$0x3FAC] =	sst s2  }
0xb: {  	[smem:$0x3FAD] =	sst s3  }
0xc: {  	[smem:$0x3FAE] =	sst s4  }
0xd: {  	[smem:$0x3FAF] =	sst s5  }
0xe: {  	[smem:$0x3FB0] =	sst s6  }
0xf: {  	[smem:$0x3FB1] =	sst s7  }
0x10: {  	[smem:$0x3FB2] =	sst s8  }
0x11: {  	[smem:$0x3FB3] =	sst s9;
	s0 =	simm.s32 @!p0 $0x0  }
0x12: {  	s1 =	sld [smem:$0x3F99];
	s0 =	simm.s32 @p0 $0x1  }
0x13: {  	[smem:$0x3FB4] =	sst s0;
	s0 =	simm.s32 @!p1 $0x0  }
0x14: {  	s2 =	sld [smem:$0x3F98];
	s0 =	simm.s32 @p1 $0x1  }
0x15: {  	[smem:$0x3FB5] =	sst s0;
	s0 =	simm.s32 @!p2 $0x0  }
0x16: {  	s3 =	sld [smem:$0x3FDB];
	s0 =	simm.s32 @p2 $0x1  }
0x17: {  	s4 =	simm.s32 $0x1BF5;
	[smem:$0x3FB7] =	sst s0  }
0x18: {  	s0 =	sld [smem:$0x3F9A];
	_ =	swait.ge [sflag:s4], $0x0  }
0x19: {  	s7 =	sld [smem:$0x3F9B]  }
0x1a: {  	s8 =	sadd.s32 $0xFFFFE003, lr  }
0x1b: {  	s9 =	sadd.s32 $0xFFFFFEF7, lr;
	s5 =	simm.s32 $0xFFFFFFFF;
	p2 =	slt.u32 s8, $0xFFFFF086  }
0x1c: {  	p1 =	slt.u32 s9, $0xF7A;
	s5 =	simm.s32 @!p2 $0x0  }
0x1d: {  	s5 =	simm.s32 @p1 $0x1;
	p0 =	seq.s32 s7, s2  }
0x1e: {  	s7 =	smul.u32 @!p0 $0xF7A, s2;
	p2 =	seq.s32 @!p0 s5, $0x0  }
0x1f: {  	s9 =	smul.u32 $0xF7A, s1;
	s8 =	simm.s32 @!p0 $0x1BF5;
	p2 =	por !p2, p0  }
0x20: {  	[sflag:s8] =	ssyncset.s32 @!p0 $0xFFFFF086;
	s6 =	sadd.s32 @!p0 s3, s7;
	s7 =	simm.s32 @!p0 $0x108  }
0x21: {  	s3 =	sadd.s32 s3, s9;
	s6 =	sadd.s32 @!p0 $0x88, s6;
	s7 =	simm.s32 @p2 $0x1082  }
0x22: {  	[simem:s7], [sflag:s8] =	dma.local @!p0 [hbm:s6], $0xF7A  }
0x23: {  	s9 =	sor.u32 $0xD0000000, s2;
	s6 =	simm.s32 $0x108;
	_ =	swait.ge @!p0 [sflag:s8], $0x0  }
0x24: {  	s3 =	sadd.s32 $0x88, s3;
	s6 =	simm.s32 @!p1 $0x1082;
	[sflag:s4] =	ssyncset.s32 $0xFFFFF086  }
0x25: {  	[simem:s6], [sflag:s4] =	dma.local [hbm:s3], $0xF7A  }
0x26: {  	[smem:$0x3F9B] =	sst s1;
	(tag) =	ssettag s2;
	_ =	strace s9  }
0x27: {  	s1 =	sld [smem:$0x3FAB]  }
0x28: {  	s2 =	sld [smem:$0x3FAC]  }
0x29: {  	s4 =	sld [smem:$0x3FAE]  }
0x2a: {  	p0 =	seq.s32 s5, $0x0;
	s5 =	sld [smem:$0x3FAF]  }
0x2b: {  	s6 =	sld [smem:$0x3FB0]  }
0x2c: {  	s7 =	sld [smem:$0x3FB1]  }
0x2d: {  	s3 =	simm.s32 $0x108;
	s8 =	sld [smem:$0x3FB2]  }
0x2e: {  	s3 =	simm.s32 @!p0 $0x1082;
	s9 =	sld [smem:$0x3FB3]  }
0x2f: {  	lr =	sadd.s32 s0, s3;
	s0 =	sld [smem:$0x3FAA]  }
0x30: {  	s3 =	sld [smem:$0x3FAD]  }
0x31: {  	[smem:$0x3FB6] =	sst s10  }
0x32: {  	s10 =	sld [smem:$0x3FB4];
	_ =	sdelay $0x3  }
0x33: {  	p0 =	seq.s32 s10, $0x1;
	s10 =	sld [smem:$0x3FB6];
	_ =	sdelay $0x3  }
0x34: {  	[smem:$0x3FB6] =	sst s10  }
0x35: {  	s10 =	sld [smem:$0x3FB5];
	_ =	sdelay $0x3  }
0x36: {  	p1 =	seq.s32 s10, $0x1;
	s10 =	sld [smem:$0x3FB6];
	_ =	sdelay $0x3  }
0x37: {  	[smem:$0x3FB6] =	sst s10  }
0x38: {  	s10 =	sld [smem:$0x3FB7]  }
0x39: {  	_ = 	snop;
	(pc) =	sbr.ind lr, $3  }
0x3a: {  	_ = 	snop  }
0x3b: {  	_ = 	snop  }
0x3c: {  	p2 =	seq.s32 s10, $0x1;
	s10 =	sld [smem:$0x3FB6]  }
0x3d: {  	_ =	shalt  }
0x3e: {  	_ =	shalt  }
0x3f: {  	_ =	shalt  }
0x40: {  	_ =	shalt  }
0x41: {  	_ =	shalt  }
0x42: {  	_ =	shalt  }
0x43: {  	_ =	shalt  }
0x44: {  	_ =	shalt  }
0x45: {  	_ =	shalt  }
0x46: {  	_ =	shalt  }
0x47: {  	_ =	shalt  }
0x48: {  	_ =	shalt  }
0x49: {  	_ =	shalt  }
0x4a: {  	_ =	shalt  }
0x4b: {  	_ =	shalt  }
0x4c: {  	_ =	shalt  }
0x4d: {  	_ =	shalt  }
0x4e: {  	_ =	shalt  }
0x4f: {  	_ =	shalt  }
0x50: {  	_ =	shalt  }
0x51: {  	_ =	shalt  }
0x52: {  	_ =	shalt  }
0x53: {  	_ =	shalt  }
0x54: {  	_ =	shalt  }
0x55: {  	_ =	shalt  }
0x56: {  	_ =	shalt  }
0x57: {  	_ =	shalt  }
0x58: {  	_ =	shalt  }
0x59: {  	_ =	shalt  }
0x5a: {  	_ =	shalt  }
0x5b: {  	_ =	shalt  }
0x5c: {  	_ =	shalt  }
0x5d: {  	_ =	shalt  }
0x5e: {  	_ =	shalt  }
0x5f: {  	_ =	shalt  }
0x60: {  	_ =	shalt  }
0x61: {  	_ =	shalt  }
0x62: {  	_ =	shalt  }
0x63: {  	_ =	shalt  }
0x64: {  	_ =	shalt  }
0x65: {  	_ =	shalt  }
0x66: {  	_ =	shalt  }
0x67: {  	_ =	shalt  }
0x68: {  	_ =	shalt  }
0x69: {  	_ =	shalt  }
0x6a: {  	_ =	shalt  }
0x6b: {  	_ =	shalt  }
0x6c: {  	_ =	shalt  }
0x6d: {  	_ =	shalt  }
0x6e: {  	_ =	shalt  }
0x6f: {  	_ =	shalt  }
0x70: {  	_ =	shalt  }
0x71: {  	_ =	shalt  }
0x72: {  	_ =	shalt  }
0x73: {  	_ =	shalt  }
0x74: {  	_ =	shalt  }
0x75: {  	_ =	shalt  }
0x76: {  	_ =	shalt  }
0x77: {  	_ =	shalt  }
0x78: {  	_ =	shalt  }
0x79: {  	_ =	shalt  }
0x7a: {  	_ =	shalt  }
0x7b: {  	_ =	shalt  }
0x7c: {  	_ =	shalt  }
0x7d: {  	_ =	shalt  }
0x7e: {  	_ =	shalt  }
0x7f: {  	_ =	shalt  }
0x80: {  	_ =	shalt  }
0x81: {  	_ =	shalt  }
0x82: {  	_ =	shalt  }
0x83: {  	_ =	shalt  }
0x84: {  	_ =	shalt  }
0x85: {  	_ =	shalt  }
0x86: {  	_ =	shalt  }
0x87: {  	_ =	shalt  }
.Lfunc_end0:
.L_simem_size_0:
called_computation.1_lowered:
.L_overlay_start_0:
0x88: {  	s2 =	sld [smem:$0x3FD9]  }
0x89: {  	s3 =	sld [smem:$0x3FFE];
	_ =	sdelay $0x1  }
0x8a: {  	s1 =	srdreg.scid  }
0x8b: {  	s0 =	sand.u32 $0x1, s1  }
0x8c: {  	s16 =	sshll.u32 s0, $0xA;
	s2 =	sadd.s32 s3, s2  }
0x8d: {  	s2 =	sadd.s32 s2, s16  }
0x8e: {  	[smem:$0x3FC2] =	sst s2  }
0x8f: {  	_ = 	snop  }
0x90: {  	(tm) =	ssettm $0x1  }
0x91: {  	s17 =	sld [smem:$0x3FFB];
	_ =	sdelay $0x3  }
0x92: {  	_ =	strace s17  }
0x93: {  	s2 =	sld [smem:$0x3FFC];
	_ =	sdelay $0x3  }
0x94: {  	_ =	strace s2  }
0x95: {  	s2 =	sld [smem:$0x3FFD];
	_ =	sdelay $0x3  }
0x96: {  	_ =	strace s2  }
0x97: {  	_ =	strace $0x8FFFFFFF  }
0x98: {  	s18 =	sld [smem:$0x3FDB];
	_ =	sdelay $0x1  }
0x99: {  	s19 =	simm.s32 $_scs_section_size  }
0x9a: {  	s4 =	simm.s32 $_size__tile_overlayer_lowered;
	s5 =	simm.s32 $_tile_overlayer_lowered  }
0x9b: {  	s22 =	simm.s32 $0x1BFF;
	s21 =	sshll.u32 s5, $0x1;
	s2 =	sadd.s32 s19, s18  }
0x9c: {  	s6 =	simm.s32 $0x0;
	s20 =	sshll.u32 s4, $0x1;
	s4 =	sadd.s32 s21, s2  }
0x9d: {  	[timem:s6], [sflag:s22] =	dma.local [hbm:s4], s20  }
0x9e: {  	_ =	swait.ge [sflag:s22], s20  }
0x9f: {  	s3 =	ssub.s32 $0x0, s20;
	[sflag:s22] =	ssyncset.done $0x0  }
0xa0: {  	[sflag:s22] =	ssyncadd.s32 s3;
	_ =	sdelay $0x1  }
0xa1: {  	s23 =	simm.s32 $0x1B8B  }
0xa2: {  	_ =	swait.ge [sflag:s23], $0x1  }
0xa3: {  	[sflag:s23] =	ssyncset.done $0x0  }
0xa4: {  	s25 =	simm.s32 $0x1B8E;
	s24 =	sld [smem:$0x3FFE];
	[sflag:s23] =	ssyncadd.s32 $0xFFFFFFFF  }
0xa5: {  	s26 =	simm.s32 $execute0_lowered;
	[smem:$0x3FD2] =	sst s25  }
0xa6: {  	s4 =	sshll.u32 s26, $0x1;
	_ =	strace $0x80000046;
	[dreg:$0x1] =	wrdreg $0xFFFFFFFF  }
0xa7: {  	s28 =	simm.s32 $_size_execute0_lowered;
	s2 =	sadd.s32 s2, s4;
	[dreg:$0x0] =	wrdreg $0x0  }
0xa8: {  	s4 =	sshll.u32 s28, $0x1;
	[dreg:$0x2] =	wrdreg s2  }
0xa9: {  	[dreg:$0x3] =	wrdreg s4  }
0xaa: {  	[dreg:$0x4] =	wrdreg $0xC0  }
0xab: {  	_ =	task [dreg:s6], $0x5FFFF  }
0xac: {  	[dreg:$0x1] =	wrdreg $0xFFFFFFFF  }
0xad: {  	[dreg:$0x0] =	wrdreg $0x60  }
0xae: {  	[dreg:$0x2] =	wrdreg s24  }
0xaf: {  	[dreg:$0x3] =	wrdreg $0xA  }
0xb0: {  	_ =	task.clear_ibuf [dreg:s6], $0x4FFFF;
	_ =	strace $0x90000046  }
0xb1: {  	s29 =	simm.s32 $0xA;
	_ =	strace $0x80000048  }
0xb2: {  	_ =	swait.ge [sflag:s29], $0x1  }
0xb3: {  	[sflag:s29] =	ssyncadd.s32 $0xFFFFFFFF  }
0xb4: {  	_ =	strace $0x90000048  }
0xb5: {  	_ =	sfence  }
0xb6: {  	s30 =	sld [smem:$0x0];
	_ =	sdelay $0x2  }
0xb7: {  	s31 =	sshll.u32 s1, $0xD;
	s1 =	sshrl.u32 s1, $0x2  }
0xb8: {  	s3 =	sand.u32 $0x4000, s31;
	s1 =	sadd.s32 s1, s30  }
0xb9: {  	s0 =	sor.u32 s3, s0;
	s1 =	sshll.u32 s1, $0x11  }
0xba: {  	s0 =	sor.u32 s1, s0  }
0xbb: {  	s0 =	sadd.s32 $0x8F2B, s0  }
0xbc: {  	[sflag:s0] =	ssyncadd.remote.s32 $0x1  }
0xbd: {  	_ =	sfence.sel $0xFFFF  }
0xbe: {  	[dreg:$0x0] =	wrdreg $0xFFFFFFFF;
	(pc) =	sbr.abs _section_cstart, $3  }
0xbf: {  	[dreg:$0x1] =	wrdreg $0xFFFFFFFF  }
0xc0: {  	_ =	task.clear_ibuf [dreg:s6], $0x2FFFF;
	_ =	strace $0x9FFFFFFF  }
0xc1: {  	(tm) =	ssettm $0x7FFFFFFF  }
tec
execute0_lowered:
.L_overlay_start_1:
0x0: {  	(tag) =	ssettag $0x1  }
0x1: {  	s3 =	rddreg [dreg:$0x0]  }
0x2: {  	s0 =	rddreg [dreg:$0x1];
	s2 =	simm.s32 $0x0;
	s1 =	stileid.u32  }
0x3: {  	s6 =	srdreg.scid;
	s12 =	simm.s32 $0x100;
	s13 =	simm.s32 $0x1100  }
0x4: {  	s14 =	simm.s32 $0x4200;
	s15 =	simm.s32 $0x4500;
	s16 =	simm.s32 $0x4510  }
0x5: {  	s17 =	simm.s32 $0x0;
	s22 =	simm.s32 $0x30;
	[smem:$0x7FF] =	sst s2  }
0x6: {  	s4 =	sshrl.u32 s1, $0x3;
	s6 =	sand.u32 $0x1, s6;
	s7 =	sshll.u32 s1, $0x1  }
0x7: {  	_ =	strace $0x80000047;
	s5 =	smul.u32 $0x600, s4;
	s4 =	sshll.u32 s4, $0x9  }
0x8: {  	s7 =	sor.u32 s6, s7;
	s6 =	ssub.s32 $0x2, s6;
	s4 =	sadd.s32 s4, s3  }
0x9: {  	s8 =	sshll.u32 s7, $0x5;
	s9 =	smul.u32 $0x60, s7;
	s7 =	sshll.u32 s7, $0x1  }
0xa: {  	s10 =	sshrl.u32 s6, $0x1;
	s5 =	sadd.s32 s5, s3;
	s8 =	sadd.s32 s8, s3  }
0xb: {  	v0 =	vlaneseq.u32;
	s11 =	sadd.s32 s7, s3;
	s10 =	ssub.s32 s6, s10;
	s4 =	sadd.s32 $0x1A00, s4  }
0xc: {  	v0 =	vmul.u32 $0x3, v0;
	s9 =	sadd.s32 s9, s3;
	s3 =	sadd.s32 $0x2A00, s8;
	s5 =	sadd.s32 $0x200, s5  }
0xd: {  	s6 =	sadd.s32 $0x2200, s8;
	s8 =	sadd.s32 $0x3000, s11;
	s10 =	smax.u32 s10, $0x1  }
0xe: {  	v1 =	vadd.s32 $0x1, v0;
	v2 =	vadd.s32 $0x2, v0;
	s7 =	sadd.s32 $0xE00, s9;
	s9 =	sadd.s32 $0x2E00, s11;
	s11 =	simm.s32 $0x1  }
.LBB2_1:
0xf: {  	[tilespmem:s2], [sflag:$0x1] =	stream.linear.gather [hbm4b:s3+s2], $0x100, $0x38;
	[tilespmem:$0x4580] =	vst v63  }
0x10: {  	_ =	swait.ge [sflag:s11], $0x100  }
0x11: {  	[sflag:s11] =	ssyncset.done $0x0  }
0x12: {  	[sflag:s11] =	ssyncadd.s32 $0xFFFFFF00  }
0x13: {  	[tilespmem:s12], [sflag:$0x1] =	stream.linear.gather [hbm4b:s4+s2], $0x1000, $0x38;
	[tilespmem:$0x4580] =	vst v63  }
0x14: {  	_ =	swait.ge [sflag:s11], $0x1000  }
0x15: {  	[sflag:s11] =	ssyncset.done $0x0  }
0x16: {  	[sflag:s11] =	ssyncadd.s32 $0xFFFFF000  }
0x17: {  	[tilespmem:s13], [sflag:$0x1] =	stream.linear.gather [hbm4b:s5+s2], $0x3000, $0x38;
	[tilespmem:$0x4580] =	vst v63  }
0x18: {  	_ =	swait.ge [sflag:s11], $0x3000  }
0x19: {  	[sflag:s11] =	ssyncset.done $0x0  }
0x1a: {  	s18 =	simm.s32 $0x4100;
	[sflag:s11] =	ssyncadd.s32 $0xFFFFD000  }
0x1b: {  	[tilespmem:s18], [sflag:$0x1] =	stream.linear.gather [hbm4b:s6+s2], $0x100, $0x38;
	[tilespmem:$0x4580] =	vst v63  }
0x1c: {  	_ =	swait.ge [sflag:s11], $0x100  }
0x1d: {  	[sflag:s11] =	ssyncset.done $0x0  }
0x1e: {  	[sflag:s11] =	ssyncadd.s32 $0xFFFFFF00  }
0x1f: {  	[tilespmem:s14], [sflag:$0x1] =	stream.linear.gather [hbm4b:s7+s2], $0x300, $0x38;
	[tilespmem:$0x4580] =	vst v63  }
0x20: {  	_ =	swait.ge [sflag:s11], $0x300  }
0x21: {  	[sflag:s11] =	ssyncset.done $0x0  }
0x22: {  	[sflag:s11] =	ssyncadd.s32 $0xFFFFFD00  }
0x23: {  	v3 =	vld [tilespmem:s2+$0x0];
	_ =	sdelay $0x2  }
0x24: {  	v5 =	vadd.s32 s2, v0;
	_ =	sdelay $0x1  }
0x25: {  	v6 =	vadd.s32 s2, v1;
	v4 =	vmul.u32 $0x3, v3  }
0x26: {  	s31 =	simm.s32 $0x10;
	v9 =	vld [tilespmem:s18+$0x0]  }
0x27: {  	v11 =	vadd.s32 s2, v2;
	v10 =	vld [tilespmem:s31+$0x0]  }
0x28: {  	v16 =	vld.idx.msk [tilespmem:v5+s14+$0x0], $0xffff;
	v8 =	vadd.s32 $0x1, v4  }
0x29: {  	v3 =	vld.idx.msk [tilespmem:v3+s12+$0x0], $0xffff  }
0x2a: {  	v7 =	vld.idx.msk [tilespmem:v6+s14+$0x0], $0xffff;
	v5 =	vadd.s32 $0x2, v4  }
0x2b: {  	v17 =	vld.idx.msk [tilespmem:v4+s13+$0x0], $0xffff  }
0x2c: {  	v6 =	vld.idx.msk [tilespmem:v11+s14+$0x0], $0xffff  }
0x2d: {  	v13 =	vadd.s32 s22, v0;
	s18 =	simm.s32 $0x4110;
	v8 =	vld.idx.msk [tilespmem:v8+s13+$0x0], $0xffff  }
0x2e: {  	v11 =	vmul.u32 $0x3, v10;
	v4 =	vld [tilespmem:s18+$0x0];
	v3 =	vsub.f32 v3, v9  }
0x2f: {  	v12 =	vimm.f32 $0.0e+00;
	v14 =	vadd.s32 s22, v1;
	v9 =	vld.idx.msk [tilespmem:v5+s13+$0x0], $0xffff  }
0x30: {  	s20 =	simm.s32 $0x20;
	v15 =	vadd.s32 $0x1, v11;
	v5 =	vld.idx.msk [tilespmem:v10+s12+$0x0], $0xffff;
	v3 =	vand.u32 $0x7FFFFFFF, v3;
	v17 =	vsub.f32 v17, v16  }
0x31: {  	s19 =	simm.s32 $0x60;
	s21 =	simm.s32 $0x90;
	v10 =	vld [tilespmem:s20+$0x0];
	v16 =	vadd.s32 s22, v2;
	v3 =	vadd.f32 v3, v12  }
.LBB2_2:
0x32: {  	p0 =	sne.s32 s21, $0x2D0;
	v18 =	vld.idx.msk [tilespmem:v13+s14+$0x0], $0xffff;
	v19 =	vadd.s32 $0x2, v11;
	v13 =	vand.u32 $0x7FFFFFFF, v17;
	v8 =	vsub.f32 v8, v7  }
0x33: {  	v17 =	vld.idx.msk [tilespmem:v11+s13+$0x0], $0xffff;
	v11 =	vadd.f32 v13, v12  }
0x34: {  	v9 =	vsub.f32 v9, v6;
	v7 =	vld.idx.msk [tilespmem:v14+s14+$0x0], $0xffff;
	v12 =	vand.u32 $0x7FFFFFFF, v8  }
0x35: {  	v8 =	vld.idx.msk [tilespmem:v15+s13+$0x0], $0xffff;
	v12 =	vadd.f32 v12, v11  }
.Ltmp0:
0x36: {  	v13 =	vadd.s32 s19, v0;
	v14 =	vand.u32 $0x7FFFFFFF, v9;
	v11 =	vmul.u32 $0x3, v10;
	v6 =	vld.idx.msk [tilespmem:v16+s14+$0x0], $0xffff;
	(pc) =	sbr.rel @p0 .LBB2_2-.Ltmp0, $4  }
0x37: {  	s18 =	sadd.s32 $0x10, s18;
	v16 =	vsub.f32 v5, v4;
	v9 =	vld.idx.msk [tilespmem:v19+s13+$0x0], $0xffff;
	v12 =	vadd.f32 v14, v12  }
0x38: {  	v14 =	vadd.s32 s19, v1;
	v4 =	vld [tilespmem:s18+$0x0]  }
0x39: {  	s20 =	sadd.s32 $0x10, s20;
	v15 =	vadd.s32 $0x1, v11;
	v19 =	vand.u32 $0x7FFFFFFF, v16;
	v17 =	vsub.f32 v17, v18;
	v5 =	vld.idx.msk [tilespmem:v10+s12+$0x0], $0xffff  }
0x3a: {  	v16 =	vadd.s32 s19, v2;
	s19 =	smov.u32 s21;
	s21 =	sadd.s32 $0x30, s21;
	v3 =	vadd.f32 v19, v3;
	v10 =	vld [tilespmem:s20+$0x0]  }
0x3b: {  	_ =	sdelay $0x3  }
0x3c: {  	v13 =	vld.idx.msk [tilespmem:v13+s14+$0x0], $0xffff  }
0x3d: {  	v42 =	vld.idx.msk [tilespmem:v11+s13+$0x0], $0xffff  }
0x3e: {  	v18 =	vadd.s32 $0x2, v11;
	v14 =	vld.idx.msk [tilespmem:v14+s14+$0x0], $0xffff  }
0x3f: {  	v15 =	vld.idx.msk [tilespmem:v15+s13+$0x0], $0xffff;
	v20 =	vadd.s32 s19, v0;
	v19 =	vmul.u32 $0x3, v10  }
0x40: {  	v17 =	vand.u32 $0x7FFFFFFF, v17;
	v7 =	vsub.f32 v8, v7;
	v43 =	vld.idx.msk [tilespmem:v16+s14+$0x0], $0xffff;
	s18 =	sadd.s32 $0x10, s18  }
0x41: {  	v45 =	vadd.s32 s19, v1;
	v12 =	vadd.f32 v17, v12;
	v46 =	vld [tilespmem:s18+$0x0]  }
0x42: {  	v6 =	vsub.f32 v9, v6;
	v7 =	vand.u32 $0x7FFFFFFF, v7;
	v48 =	vld.idx.msk [tilespmem:v10+s12+$0x0], $0xffff;
	v47 =	vadd.s32 $0x1, v19  }
0x43: {  	v49 =	vadd.s32 s19, v2;
	v7 =	vadd.f32 v7, v12;
	v44 =	vld.idx.msk [tilespmem:v18+s13+$0x0], $0xffff  }
0x44: {  	v6 =	vand.u32 $0x7FFFFFFF, v6;
	v11 =	vsub.f32 v42, v13;
	v50 =	vld.idx.msk [tilespmem:v20+s14+$0x0], $0xffff;
	v51 =	vadd.s32 $0x2, v19  }
0x45: {  	v6 =	vadd.f32 v6, v7;
	v52 =	vld.idx.msk [tilespmem:v19+s13+$0x0], $0xffff  }
0x46: {  	v14 =	vsub.f32 v15, v14;
	v53 =	vld.idx.msk [tilespmem:v45+s14+$0x0], $0xffff;
	v11 =	vand.u32 $0x7FFFFFFF, v11  }
0x47: {  	v6 =	vadd.f32 v11, v6;
	v54 =	vld.idx.msk [tilespmem:v47+s13+$0x0], $0xffff  }
0x48: {  	v12 =	vld.idx.msk [tilespmem:v49+s14+$0x0], $0xffff;
	v14 =	vand.u32 $0x7FFFFFFF, v14;
	v8 =	vsub.f32 v44, v43  }
0x49: {  	v6 =	vadd.f32 v14, v6;
	v55 =	vld.idx.msk [tilespmem:v51+s13+$0x0], $0xffff  }
0x4a: {  	v8 =	vand.u32 $0x7FFFFFFF, v8;
	v7 =	vsub.f32 v52, v50  }
0x4b: {  	v4 =	vsub.f32 v5, v4;
	v56 =	vadd.f32 v8, v6  }
0x4c: {  	v58 =	vsub.f32 v54, v53;
	v57 =	vand.u32 $0x7FFFFFFF, v7  }
0x4d: {  	v4 =	vand.u32 $0x7FFFFFFF, v4;
	v59 =	vsub.f32 v48, v46;
	v5 =	vadd.f32 v57, v56  }
0x4e: {  	v3 =	vadd.f32 v4, v3;
	v61 =	vsub.f32 v55, v12;
	v60 =	vand.u32 $0x7FFFFFFF, v58  }
0x4f: {  	v62 =	vand.u32 $0x7FFFFFFF, v59;
	v4 =	vadd.f32 v60, v5  }
0x50: {  	v3 =	vadd.f32 v62, v3;
	v63 =	vand.u32 $0x7FFFFFFF, v61  }
0x51: {  	v4 =	vadd.f32 v63, v4  }
0x52: {  	[tilespmem:$0x4500] =	vst v3  }
0x53: {  	[tilespmem:$0x4510] =	vst v4  }
0x54: {  	[hbm4b:s8+s2] =	stream.linear.scatter [tilespmem:s15], [sflag:$0x1], $0x10, $0x38;
	[tilespmem:$0x4580] =	vst v63  }
0x55: {  	s17 =	sadd.s32 $0x1, s17;
	_ =	swait.ge [sflag:s11], $0x10  }
0x56: {  	p0 =	sne.s32 s17, s10;
	[sflag:s11] =	ssyncset.done $0x0  }
.Ltmp1:
0x57: {  	[sflag:s11] =	ssyncadd.s32 $0xFFFFFFF0;
	(pc) =	sbr.rel @p0 .LBB2_1-.Ltmp1, $4  }
0x58: {  	[hbm4b:s9+s2] =	stream.linear.scatter [tilespmem:s16], [sflag:$0x1], $0x10, $0x38;
	[tilespmem:$0x4580] =	vst v63  }
0x59: {  	_ =	swait.ge [sflag:s11], $0x10  }
0x5a: {  	[sflag:s11] =	ssyncset.done $0x0  }
0x5b: {  	[sflag:s11] =	ssyncadd.s32 $0xFFFFFFF0  }
0x5c: {  	_ =	sfence.sel $0x180000  }
0x5d: {  	[bflag:$0x0] =	sbarrier.arrive $0xFFFF  }
0x5e: {  	p0 =	sne.s32 s1, $0x0;
	_ =	strace $0x90000047  }
0x5f: {  	s0 =	sadd.s32 @!p0 $0x100000, s0;
	[bflag:$0x2] =	sbarrier.arrive $0xFFFF  }
0x60: {  	[sflag:s0] =	ssyncadd.tile.s32 @!p0 $0x1;
	_ =	shalt  }
.Lfunc_end2:
_tile_overlayer_lowered:
.L_overlay_start_2:
0x61: {  	(tag) =	ssettag $0x2  }
0x62: {  	s0 =	rddreg [dreg:$0x0];
	s2 =	stileid.u32  }
0x63: {  	s1 =	rddreg [dreg:$0x1];
	p0 =	sne.s32 s2, $0x0  }
0x64: {  	s3 =	rddreg [dreg:$0x2];
	[bflag:$0x3] =	sbarrier.arrive $0xFFFF;
	s2 =	simm.s32 @!p0 $0x1C01  }
0x65: {  	[timem:s3], [sflag:s2] =	dma.local @!p0 [hbm:s0], s1  }
0x66: {  	s0 =	simm.s32 @!p0 $0x1  }
0x67: {  	_ =	swait.ge @!p0 [sflag:s0], s1  }
0x68: {  	s1 =	ssub.s32 @!p0 $0x0, s1;
	[sflag:s0] =	ssyncset.done @!p0 $0x0  }
0x69: {  	[sflag:s0] =	ssyncadd.s32 @!p0 s1  }
0x6a: {  	[bflag:$0x3] =	sbarrier.arrive $0xFFFF  }
0x6b: {  	_ =	shalt  }

</sc_bundles>
